<compile_context>
chip_gen: v7x
topology: tpu7x:2x2x1
jax: 0.10.2.dev20260603
libtpu: 0.0.44.dev20260713+nightly
codegen_flags: <defaults>
</compile_context>

<pallas_src>
import functools

import jax
import jax.numpy as jnp
from jax import lax
from jax.experimental import pallas as pl
from jax.experimental.pallas import tpu as pltpu
from jax.experimental.pallas import tpu_sc as plsc

N = 10000
E = 320000
CH = 128
L = 16
NCH = CH // L
NC, NS = 2, 16
NW = NC * NS
EPT = E // NW
EPT_P = 10240
PADE = EPT_P - EPT
BE = 128
NB = EPT_P // BE
SB = 8
NSB = NB // SB
STRIPE = 632
NPAD = NS * STRIPE

_ROW_BLK = 2000


def _mm_body(x_ref, d_ref, w_ref, y_ref):
    y_ref[...] = jnp.dot(x_ref[...] * d_ref[...], w_ref[...],
                         preferred_element_type=jnp.float32)


def _matmul(x, deg2, weight):
    return pl.pallas_call(
        _mm_body,
        grid=(N // _ROW_BLK,),
        in_specs=[
            pl.BlockSpec((_ROW_BLK, CH), lambda i: (i, 0)),
            pl.BlockSpec((_ROW_BLK, 1), lambda i: (i, 0)),
            pl.BlockSpec((CH, CH), lambda i: (0, 0)),
        ],
        out_specs=pl.BlockSpec((_ROW_BLK, CH), lambda i: (i, 0)),
        out_shape=jax.ShapeDtypeStruct((N, CH), jnp.float32),
    )(x, deg2, weight)


def _ep_body(p_ref, d_ref, b_ref, o_ref):
    o_ref[...] = d_ref[...] * (p_ref[0] + p_ref[1]) + b_ref[...]


def _epilogue(partials, deg2, bias2):
    return pl.pallas_call(
        _ep_body,
        grid=(N // _ROW_BLK,),
        in_specs=[
            pl.BlockSpec((NC, _ROW_BLK, CH), lambda i: (0, i, 0)),
            pl.BlockSpec((_ROW_BLK, 1), lambda i: (i, 0)),
            pl.BlockSpec((1, CH), lambda i: (0, 0)),
        ],
        out_specs=pl.BlockSpec((_ROW_BLK, CH), lambda i: (i, 0)),
        out_shape=jax.ShapeDtypeStruct((N, CH), jnp.float32),
    )(partials, deg2, bias2)


def _agg_body(y_hbm, rec_hbm, out_hbm, recs, rows, acc,
              gsem0, gsem1, isem0, isem1):
    c = lax.axis_index("c")
    s = lax.axis_index("s")
    wid = c * NS + s

    zv = jnp.zeros((L,), jnp.float32)

    def _zrow(r, carry):
        for g in range(NCH):
            rows[0, r, pl.ds(g * L, L)] = zv
        return carry
    lax.fori_loop(0, BE, _zrow, 0)

    base = s * STRIPE
    for r in range(STRIPE // BE):
        pltpu.sync_copy(rows.at[0], acc.at[pl.ds(base + r * BE, BE)])
    pltpu.sync_copy(rows.at[0, pl.ds(0, STRIPE % BE)],
                    acc.at[pl.ds(base + (STRIPE // BE) * BE, STRIPE % BE)])
    plsc.subcore_barrier()

    isems = (isem0, isem1)

    def _block(jin, par, b, sem, refill):
        pltpu.make_async_copy(y_hbm.at[recs.at[par, jin, 0]],
                              rows.at[b], sem).wait()
        pltpu.sync_copy(rows.at[b], acc.at[recs.at[par, jin, 1]], add=True)
        if refill:
            pltpu.async_copy(y_hbm.at[recs.at[par, jin + 2, 0]],
                             rows.at[b], sem)

    def _superblock(S, par):
        def _pair(i2, carry):
            _block(i2 * 2, par, 0, gsem0, refill=True)
            _block(i2 * 2 + 1, par, 1, gsem1, refill=True)
            return carry

        lax.fori_loop(0, SB // 2 - 1, _pair, 0)
        _block(SB - 2, par, 0, gsem0, refill=False)
        _block(SB - 1, par, 1, gsem1, refill=False)

        opar = 1 - par

        @pl.when(S + 1 < NSB)
        def _():
            pltpu.make_async_copy(rec_hbm.at[wid, pl.ds((S + 1) * SB, SB)],
                                  recs.at[opar], isems[opar]).wait()
            pltpu.async_copy(y_hbm.at[recs.at[opar, 0, 0]], rows.at[0], gsem0)
            pltpu.async_copy(y_hbm.at[recs.at[opar, 1, 0]], rows.at[1], gsem1)

        @pl.when(S + 2 < NSB)
        def _():
            pltpu.async_copy(rec_hbm.at[wid, pl.ds((S + 2) * SB, SB)],
                             recs.at[par], isems[par])

    pltpu.sync_copy(rec_hbm.at[wid, pl.ds(0, SB)], recs.at[0])
    pltpu.async_copy(y_hbm.at[recs.at[0, 0, 0]], rows.at[0], gsem0)
    pltpu.async_copy(y_hbm.at[recs.at[0, 1, 0]], rows.at[1], gsem1)
    pltpu.async_copy(rec_hbm.at[wid, pl.ds(SB, SB)], recs.at[1], isem1)

    def _outer(ss, carry):
        _superblock(ss * 2, 0)
        _superblock(ss * 2 + 1, 1)
        return carry

    lax.fori_loop(0, NSB // 2, _outer, 0)

    plsc.subcore_barrier()
    pltpu.sync_copy(acc.at[pl.ds(base, STRIPE)],
                    out_hbm.at[c, pl.ds(base, STRIPE)])


@functools.cache
def _agg():
    return functools.partial(
        pl.kernel,
        out_type=jax.ShapeDtypeStruct((NC, NPAD, CH), jnp.float32),
        mesh=plsc.VectorSubcoreMesh(core_axis_name="c", subcore_axis_name="s",
                                    num_cores=NC, num_subcores=NS),
        scratch_types=[
            pltpu.VMEM((2, SB, 2, BE), jnp.int32),
            pltpu.VMEM((2, BE, CH), jnp.float32),
            pltpu.VMEM_SHARED((NPAD, CH), jnp.float32),
            pltpu.SemaphoreType.DMA,
            pltpu.SemaphoreType.DMA,
            pltpu.SemaphoreType.DMA,
            pltpu.SemaphoreType.DMA,
        ],
        compiler_params=pltpu.CompilerParams(needs_layout_passes=False,
                                             use_tc_tiling_on_sc=False),
    )(_agg_body)


def kernel(x, weight, bias, degrees, src_index, dst_index):
    deg2 = degrees.reshape(N, 1)
    y = _matmul(x, deg2, weight)
    srcp = jnp.pad(src_index.astype(jnp.int32).reshape(NW, EPT),
                   ((0, 0), (0, PADE)))
    dstp = jnp.pad(dst_index.astype(jnp.int32).reshape(NW, EPT),
                   ((0, 0), (0, PADE)), constant_values=NPAD - 1)
    rec = jnp.stack([srcp.reshape(NW, NB, BE), dstp.reshape(NW, NB, BE)], axis=2)
    partials = _agg()(y, rec)
    return _epilogue(partials, deg2, bias.reshape(1, CH))

# --- scband reference (transcript-rebuilt; emitter-appended) ---
"""Pipeline reference for scband-rof-gcnconv-11682311045368 (READ-ONLY COPY).

The authoritative reference and input builder live on the scoring server;
editing this copy changes nothing except your own understanding.
"""

import jax, jax.numpy as jnp
import numpy as np

N_NODES = 10000
N_EDGES = 320000
IN_CH = 128
OUT_CH = 128


def setup_inputs(seed: int = 0) -> dict:
    key = jax.random.key(seed)
    k0, k1, k2, k3, k4 = jax.random.split(key, 5)
    x = jax.random.normal(k0, (N_NODES, IN_CH), dtype=jnp.float32)
    src_index = jax.random.randint(k1, (N_EDGES,), 0, N_NODES, dtype=jnp.int64 if jax.config.jax_enable_x64 else jnp.int32)
    dst_index = jnp.sort(jax.random.randint(k2, (N_EDGES,), 0, N_NODES, dtype=jnp.int64 if jax.config.jax_enable_x64 else jnp.int32))
    # precomputed per-node normalization factors (1/sqrt(deg) style), as GNNAdvisor/ROF
    # pass degrees already transformed; here they are positive scalars per node
    degrees = jax.random.uniform(k3, (N_NODES,), dtype=jnp.float32, minval=0.05, maxval=1.0)
    # glorot (xavier_uniform) init for weight, zeros for bias, matching reset_parameters
    a = np.sqrt(6.0 / (IN_CH + OUT_CH))
    weight = jax.random.uniform(k4, (IN_CH, OUT_CH), dtype=jnp.float32, minval=-a, maxval=a)
    bias = jnp.zeros((OUT_CH,), dtype=jnp.float32)
    return {
        "x": x,
        "weight": weight,
        "bias": bias,
        "degrees": degrees,
        "src_index": src_index,
        "dst_index": dst_index,
    }


def reference(x, weight, bias, degrees, src_index, dst_index):
    # ROF_v1 / GNNA forward (add_self_loops=False path):
    #   1) dense transform: xw = x @ W
    #   2) neighbor aggregation with symmetric degree normalization:
    #      out[v] = sum_{u in N(v)} degrees[u] * degrees[v] * xw[u]
    #   3) bias add (done outside the autograd Function in the torch module)
    xw = jnp.dot(x, weight)
    edge_norm = degrees[src_index] * degrees[dst_index]
    msgs = jnp.take(xw, src_index, axis=0) * edge_norm[:, None]
    agg = jax.ops.segment_sum(msgs, dst_index, num_segments=x.shape[0])
    return agg + bias

if __name__ == "__main__":
    import jax
    _d = setup_inputs()
    print(jax.jit(kernel)(*tuple(_d.values())))

</pallas_src>

<mosaic_0001>
#map = affine_map<(d0, d1) -> (0, 0)>
#map1 = affine_map<(d0, d1) -> (0, 0, 0, 0)>
#map2 = affine_map<(d0, d1) -> (0, 0, 0)>
module attributes {stable_mosaic.version = 14 : i64} {
  func.func @_agg_body(%arg0: i32, %arg1: i32, %arg2: memref<10000x128xf32, #tpu.memory_space<hbm>>, %arg3: memref<32x80x2x128xi32, #tpu.memory_space<hbm>>, %arg4: memref<2x10112x128xf32, #tpu.memory_space<hbm>>, %arg5: memref<2x8x2x128xi32, #tpu.memory_space<vmem>>, %arg6: memref<2x128x128xf32, #tpu.memory_space<vmem>>, %arg7: memref<10112x128xf32, #tpu.memory_space<vmem_shared>>, %arg8: memref<!tpu.dma_semaphore, #tpu.memory_space<semaphore_mem>>, %arg9: memref<!tpu.dma_semaphore, #tpu.memory_space<semaphore_mem>>, %arg10: memref<!tpu.dma_semaphore, #tpu.memory_space<semaphore_mem>>, %arg11: memref<!tpu.dma_semaphore, #tpu.memory_space<semaphore_mem>>) attributes {dimension_semantics = [#tpu.dimension_semantics<core_parallel>, #tpu.dimension_semantics<subcore_parallel>], iteration_bounds = array<i64: 2, 16>, scalar_prefetch = 0 : i64, scratch_operands = 7 : i64, tpu.core_type = #tpu.core_type<sc_vector_subcore>, window_params = [{transform_indices = #map}, {transform_indices = #map1}, {transform_indices = #map2}]} {
    %mul3A = arith.constant 16 : i32
    %mul3A_0 = arith.muli %arg0, %mul3A : i32
    %add3A = arith.addi %mul3A_0, %arg1 : i32
    %broadcast_in_dim3A = arith.constant 0.000000e+00 : f32
    %broadcast_in_dim3A_1 = vector.broadcast %broadcast_in_dim3A : f32 to vector<16xf32>
    %scan3A = arith.constant 0 : i32
    %scan3A_2 = arith.constant 0 : i32
    %scan3A_3 = arith.constant 128 : i32
    %scan3A_4 = arith.addi %scan3A_2, %scan3A_3 : i32
    %scan3A_5 = arith.constant 1 : i32
    scf.for %scan3A_79 = %scan3A_2 to %scan3A_4 step %scan3A_5  : i32 {
      %swap3A = arith.constant 0 : i32
      %swap3A_80 = arith.index_cast %swap3A : i32 to index
      %swap3A_81 = arith.index_cast %scan3A_79 : i32 to index
      %swap3A_82 = arith.constant 0 : index
      %swap3A_83 = tpu.vector_load %arg6[%swap3A_80, %swap3A_81, %swap3A_82] {strides = array<i32>} : memref<2x128x128xf32, #tpu.memory_space<vmem>>, vector<16xf32>,
      tpu.vector_store %arg6[%swap3A_80, %swap3A_81, %swap3A_82], %broadcast_in_dim3A_1 {strides = array<i32>} : memref<2x128x128xf32, #tpu.memory_space<vmem>>, vector<16xf32>,
      %swap3A_84 = arith.constant 0 : i32
      %swap3A_85 = arith.index_cast %swap3A_84 : i32 to index
      %swap3A_86 = arith.index_cast %scan3A_79 : i32 to index
      %swap3A_87 = arith.constant 16 : index
      %swap3A_88 = tpu.vector_load %arg6[%swap3A_85, %swap3A_86, %swap3A_87] {strides = array<i32>} : memref<2x128x128xf32, #tpu.memory_space<vmem>>, vector<16xf32>,
      tpu.vector_store %arg6[%swap3A_85, %swap3A_86, %swap3A_87], %broadcast_in_dim3A_1 {strides = array<i32>} : memref<2x128x128xf32, #tpu.memory_space<vmem>>, vector<16xf32>,
      %swap3A_89 = arith.constant 0 : i32
      %swap3A_90 = arith.index_cast %swap3A_89 : i32 to index
      %swap3A_91 = arith.index_cast %scan3A_79 : i32 to index
      %swap3A_92 = arith.constant 32 : index
      %swap3A_93 = tpu.vector_load %arg6[%swap3A_90, %swap3A_91, %swap3A_92] {strides = array<i32>} : memref<2x128x128xf32, #tpu.memory_space<vmem>>, vector<16xf32>,
      tpu.vector_store %arg6[%swap3A_90, %swap3A_91, %swap3A_92], %broadcast_in_dim3A_1 {strides = array<i32>} : memref<2x128x128xf32, #tpu.memory_space<vmem>>, vector<16xf32>,
      %swap3A_94 = arith.constant 0 : i32
      %swap3A_95 = arith.index_cast %swap3A_94 : i32 to index
      %swap3A_96 = arith.index_cast %scan3A_79 : i32 to index
      %swap3A_97 = arith.constant 48 : index
      %swap3A_98 = tpu.vector_load %arg6[%swap3A_95, %swap3A_96, %swap3A_97] {strides = array<i32>} : memref<2x128x128xf32, #tpu.memory_space<vmem>>, vector<16xf32>,
      tpu.vector_store %arg6[%swap3A_95, %swap3A_96, %swap3A_97], %broadcast_in_dim3A_1 {strides = array<i32>} : memref<2x128x128xf32, #tpu.memory_space<vmem>>, vector<16xf32>,
      %swap3A_99 = arith.constant 0 : i32
      %swap3A_100 = arith.index_cast %swap3A_99 : i32 to index
      %swap3A_101 = arith.index_cast %scan3A_79 : i32 to index
      %swap3A_102 = arith.constant 64 : index
      %swap3A_103 = tpu.vector_load %arg6[%swap3A_100, %swap3A_101, %swap3A_102] {strides = array<i32>} : memref<2x128x128xf32, #tpu.memory_space<vmem>>, vector<16xf32>,
      tpu.vector_store %arg6[%swap3A_100, %swap3A_101, %swap3A_102], %broadcast_in_dim3A_1 {strides = array<i32>} : memref<2x128x128xf32, #tpu.memory_space<vmem>>, vector<16xf32>,
      %swap3A_104 = arith.constant 0 : i32
      %swap3A_105 = arith.index_cast %swap3A_104 : i32 to index
      %swap3A_106 = arith.index_cast %scan3A_79 : i32 to index
      %swap3A_107 = arith.constant 80 : index
      %swap3A_108 = tpu.vector_load %arg6[%swap3A_105, %swap3A_106, %swap3A_107] {strides = array<i32>} : memref<2x128x128xf32, #tpu.memory_space<vmem>>, vector<16xf32>,
      tpu.vector_store %arg6[%swap3A_105, %swap3A_106, %swap3A_107], %broadcast_in_dim3A_1 {strides = array<i32>} : memref<2x128x128xf32, #tpu.memory_space<vmem>>, vector<16xf32>,
      %swap3A_109 = arith.constant 0 : i32
      %swap3A_110 = arith.index_cast %swap3A_109 : i32 to index
      %swap3A_111 = arith.index_cast %scan3A_79 : i32 to index
      %swap3A_112 = arith.constant 96 : index
      %swap3A_113 = tpu.vector_load %arg6[%swap3A_110, %swap3A_111, %swap3A_112] {strides = array<i32>} : memref<2x128x128xf32, #tpu.memory_space<vmem>>, vector<16xf32>,
      tpu.vector_store %arg6[%swap3A_110, %swap3A_111, %swap3A_112], %broadcast_in_dim3A_1 {strides = array<i32>} : memref<2x128x128xf32, #tpu.memory_space<vmem>>, vector<16xf32>,
      %swap3A_114 = arith.constant 0 : i32
      %swap3A_115 = arith.index_cast %swap3A_114 : i32 to index
      %swap3A_116 = arith.index_cast %scan3A_79 : i32 to index
      %swap3A_117 = arith.constant 112 : index
      %swap3A_118 = tpu.vector_load %arg6[%swap3A_115, %swap3A_116, %swap3A_117] {strides = array<i32>} : memref<2x128x128xf32, #tpu.memory_space<vmem>>, vector<16xf32>,
      tpu.vector_store %arg6[%swap3A_115, %swap3A_116, %swap3A_117], %broadcast_in_dim3A_1 {strides = array<i32>} : memref<2x128x128xf32, #tpu.memory_space<vmem>>, vector<16xf32>,
    }
    %scan3A_6 = arith.constant 128 : i32
    %mul3A_7 = arith.constant 632 : i32
    %mul3A_8 = arith.muli %arg1, %mul3A_7 : i32
    %add3A_9 = arith.constant 0 : i32
    %add3A_10 = arith.addi %mul3A_8, %add3A_9 : i32
    %run_scoped3A = arith.constant 0 : i32
    "tpu.region"() ({
      %run_scoped3A_79 = tpu.sem_alloc : memref<!tpu.dma_semaphore, #tpu.memory_space<semaphore_mem>>
      %dma_start3A_80 = arith.constant 0 : i32
      %dma_start3A_81 = arith.constant 0 : i32
      %dma_start3A_82 = tpu.memref_slice %arg6[%run_scoped3A, %dma_start3A_80, %dma_start3A_81] : memref<2x128x128xf32, #tpu.memory_space<vmem>> -> memref<1x128x128xf32, #tpu.memory_space<vmem>>
      %dma_start3A_83 = tpu.memref_squeeze %dma_start3A_82 : memref<1x128x128xf32, #tpu.memory_space<vmem>> -> memref<128x128xf32, #tpu.memory_space<vmem>>
      %dma_start3A_84 = arith.constant 0 : i32
      %dma_start3A_85 = tpu.memref_slice %arg7[%add3A_10, %dma_start3A_84] : memref<10112x128xf32, #tpu.memory_space<vmem_shared>> -> memref<128x128xf32, #tpu.memory_space<vmem_shared>>
      %dma_start3A_86 = arith.constant 0 : i32
      %dma_start3A_87 = tpu.memref_slice %arg7[%add3A_10, %dma_start3A_86] : memref<10112x128xf32, #tpu.memory_space<vmem_shared>> -> memref<128x128xf32, #tpu.memory_space<vmem_shared>>
      %dma_start3A_88 = arith.constant 0 : i32
      %dma_start3A_89 = arith.constant 0 : i32
      %dma_start3A_90 = tpu.memref_slice %arg6[%run_scoped3A, %dma_start3A_88, %dma_start3A_89] : memref<2x128x128xf32, #tpu.memory_space<vmem>> -> memref<1x128x128xf32, #tpu.memory_space<vmem>>
      %dma_start3A_91 = tpu.memref_squeeze %dma_start3A_90 : memref<1x128x128xf32, #tpu.memory_space<vmem>> -> memref<128x128xf32, #tpu.memory_space<vmem>>
      tpu.enqueue_dma source(%dma_start3A_91 : memref<128x128xf32, #tpu.memory_space<vmem>>) target(%dma_start3A_87 : memref<128x128xf32, #tpu.memory_space<vmem_shared>>) target_semaphore(%run_scoped3A_79 : memref<!tpu.dma_semaphore, #tpu.memory_space<semaphore_mem>>)
      %dma_wait3A = arith.constant 0 : i32
      %dma_wait3A_92 = arith.constant 0 : i32
      %dma_wait3A_93 = tpu.memref_slice %arg6[%run_scoped3A, %dma_wait3A, %dma_wait3A_92] : memref<2x128x128xf32, #tpu.memory_space<vmem>> -> memref<1x128x128xf32, #tpu.memory_space<vmem>>
      %dma_wait3A_94 = tpu.memref_squeeze %dma_wait3A_93 : memref<1x128x128xf32, #tpu.memory_space<vmem>> -> memref<128x128xf32, #tpu.memory_space<vmem>>
      %dma_wait3A_95 = arith.constant 0 : i32
      %dma_wait3A_96 = tpu.memref_slice %arg7[%add3A_10, %dma_wait3A_95] : memref<10112x128xf32, #tpu.memory_space<vmem_shared>> -> memref<128x128xf32, #tpu.memory_space<vmem_shared>>
      %dma_wait3A_97 = arith.constant 0 : i32
      %dma_wait3A_98 = tpu.memref_slice %arg7[%add3A_10, %dma_wait3A_97] : memref<10112x128xf32, #tpu.memory_space<vmem_shared>> -> memref<128x128xf32, #tpu.memory_space<vmem_shared>>
      %dma_wait3A_99 = arith.constant 0 : i32
      %dma_wait3A_100 = arith.constant 0 : i32
      %dma_wait3A_101 = tpu.memref_slice %arg6[%run_scoped3A, %dma_wait3A_99, %dma_wait3A_100] : memref<2x128x128xf32, #tpu.memory_space<vmem>> -> memref<1x128x128xf32, #tpu.memory_space<vmem>>
      %dma_wait3A_102 = tpu.memref_squeeze %dma_wait3A_101 : memref<1x128x128xf32, #tpu.memory_space<vmem>> -> memref<128x128xf32, #tpu.memory_space<vmem>>
      tpu.wait_dma2 semaphore(%run_scoped3A_79 : memref<!tpu.dma_semaphore, #tpu.memory_space<semaphore_mem>>) src(%dma_wait3A_102 : memref<128x128xf32, #tpu.memory_space<vmem>>) dst(%dma_wait3A_98 : memref<128x128xf32, #tpu.memory_space<vmem_shared>>)
      tpu.yield
    }) : () -> ()
    %add3A_11 = arith.constant 128 : i32
    %add3A_12 = arith.addi %mul3A_8, %add3A_11 : i32
    %run_scoped3A_13 = arith.constant 0 : i32
    "tpu.region"() ({
      %run_scoped3A_79 = tpu.sem_alloc : memref<!tpu.dma_semaphore, #tpu.memory_space<semaphore_mem>>
      %dma_start3A_80 = arith.constant 0 : i32
      %dma_start3A_81 = arith.constant 0 : i32
      %dma_start3A_82 = tpu.memref_slice %arg6[%run_scoped3A_13, %dma_start3A_80, %dma_start3A_81] : memref<2x128x128xf32, #tpu.memory_space<vmem>> -> memref<1x128x128xf32, #tpu.memory_space<vmem>>
      %dma_start3A_83 = tpu.memref_squeeze %dma_start3A_82 : memref<1x128x128xf32, #tpu.memory_space<vmem>> -> memref<128x128xf32, #tpu.memory_space<vmem>>
      %dma_start3A_84 = arith.constant 0 : i32
      %dma_start3A_85 = tpu.memref_slice %arg7[%add3A_12, %dma_start3A_84] : memref<10112x128xf32, #tpu.memory_space<vmem_shared>> -> memref<128x128xf32, #tpu.memory_space<vmem_shared>>
      %dma_start3A_86 = arith.constant 0 : i32
      %dma_start3A_87 = tpu.memref_slice %arg7[%add3A_12, %dma_start3A_86] : memref<10112x128xf32, #tpu.memory_space<vmem_shared>> -> memref<128x128xf32, #tpu.memory_space<vmem_shared>>
      %dma_start3A_88 = arith.constant 0 : i32
      %dma_start3A_89 = arith.constant 0 : i32
      %dma_start3A_90 = tpu.memref_slice %arg6[%run_scoped3A_13, %dma_start3A_88, %dma_start3A_89] : memref<2x128x128xf32, #tpu.memory_space<vmem>> -> memref<1x128x128xf32, #tpu.memory_space<vmem>>
      %dma_start3A_91 = tpu.memref_squeeze %dma_start3A_90 : memref<1x128x128xf32, #tpu.memory_space<vmem>> -> memref<128x128xf32, #tpu.memory_space<vmem>>
      tpu.enqueue_dma source(%dma_start3A_91 : memref<128x128xf32, #tpu.memory_space<vmem>>) target(%dma_start3A_87 : memref<128x128xf32, #tpu.memory_space<vmem_shared>>) target_semaphore(%run_scoped3A_79 : memref<!tpu.dma_semaphore, #tpu.memory_space<semaphore_mem>>)
      %dma_wait3A = arith.constant 0 : i32
      %dma_wait3A_92 = arith.constant 0 : i32
      %dma_wait3A_93 = tpu.memref_slice %arg6[%run_scoped3A_13, %dma_wait3A, %dma_wait3A_92] : memref<2x128x128xf32, #tpu.memory_space<vmem>> -> memref<1x128x128xf32, #tpu.memory_space<vmem>>
      %dma_wait3A_94 = tpu.memref_squeeze %dma_wait3A_93 : memref<1x128x128xf32, #tpu.memory_space<vmem>> -> memref<128x128xf32, #tpu.memory_space<vmem>>
      %dma_wait3A_95 = arith.constant 0 : i32
      %dma_wait3A_96 = tpu.memref_slice %arg7[%add3A_12, %dma_wait3A_95] : memref<10112x128xf32, #tpu.memory_space<vmem_shared>> -> memref<128x128xf32, #tpu.memory_space<vmem_shared>>
      %dma_wait3A_97 = arith.constant 0 : i32
      %dma_wait3A_98 = tpu.memref_slice %arg7[%add3A_12, %dma_wait3A_97] : memref<10112x128xf32, #tpu.memory_space<vmem_shared>> -> memref<128x128xf32, #tpu.memory_space<vmem_shared>>
      %dma_wait3A_99 = arith.constant 0 : i32
      %dma_wait3A_100 = arith.constant 0 : i32
      %dma_wait3A_101 = tpu.memref_slice %arg6[%run_scoped3A_13, %dma_wait3A_99, %dma_wait3A_100] : memref<2x128x128xf32, #tpu.memory_space<vmem>> -> memref<1x128x128xf32, #tpu.memory_space<vmem>>
      %dma_wait3A_102 = tpu.memref_squeeze %dma_wait3A_101 : memref<1x128x128xf32, #tpu.memory_space<vmem>> -> memref<128x128xf32, #tpu.memory_space<vmem>>
      tpu.wait_dma2 semaphore(%run_scoped3A_79 : memref<!tpu.dma_semaphore, #tpu.memory_space<semaphore_mem>>) src(%dma_wait3A_102 : memref<128x128xf32, #tpu.memory_space<vmem>>) dst(%dma_wait3A_98 : memref<128x128xf32, #tpu.memory_space<vmem_shared>>)
      tpu.yield
    }) : () -> ()
    %add3A_14 = arith.constant 256 : i32
    %add3A_15 = arith.addi %mul3A_8, %add3A_14 : i32
    %run_scoped3A_16 = arith.constant 0 : i32
    "tpu.region"() ({
      %run_scoped3A_79 = tpu.sem_alloc : memref<!tpu.dma_semaphore, #tpu.memory_space<semaphore_mem>>
      %dma_start3A_80 = arith.constant 0 : i32
      %dma_start3A_81 = arith.constant 0 : i32
      %dma_start3A_82 = tpu.memref_slice %arg6[%run_scoped3A_16, %dma_start3A_80, %dma_start3A_81] : memref<2x128x128xf32, #tpu.memory_space<vmem>> -> memref<1x128x128xf32, #tpu.memory_space<vmem>>
      %dma_start3A_83 = tpu.memref_squeeze %dma_start3A_82 : memref<1x128x128xf32, #tpu.memory_space<vmem>> -> memref<128x128xf32, #tpu.memory_space<vmem>>
      %dma_start3A_84 = arith.constant 0 : i32
      %dma_start3A_85 = tpu.memref_slice %arg7[%add3A_15, %dma_start3A_84] : memref<10112x128xf32, #tpu.memory_space<vmem_shared>> -> memref<128x128xf32, #tpu.memory_space<vmem_shared>>
      %dma_start3A_86 = arith.constant 0 : i32
      %dma_start3A_87 = tpu.memref_slice %arg7[%add3A_15, %dma_start3A_86] : memref<10112x128xf32, #tpu.memory_space<vmem_shared>> -> memref<128x128xf32, #tpu.memory_space<vmem_shared>>
      %dma_start3A_88 = arith.constant 0 : i32
      %dma_start3A_89 = arith.constant 0 : i32
      %dma_start3A_90 = tpu.memref_slice %arg6[%run_scoped3A_16, %dma_start3A_88, %dma_start3A_89] : memref<2x128x128xf32, #tpu.memory_space<vmem>> -> memref<1x128x128xf32, #tpu.memory_space<vmem>>
      %dma_start3A_91 = tpu.memref_squeeze %dma_start3A_90 : memref<1x128x128xf32, #tpu.memory_space<vmem>> -> memref<128x128xf32, #tpu.memory_space<vmem>>
      tpu.enqueue_dma source(%dma_start3A_91 : memref<128x128xf32, #tpu.memory_space<vmem>>) target(%dma_start3A_87 : memref<128x128xf32, #tpu.memory_space<vmem_shared>>) target_semaphore(%run_scoped3A_79 : memref<!tpu.dma_semaphore, #tpu.memory_space<semaphore_mem>>)
      %dma_wait3A = arith.constant 0 : i32
      %dma_wait3A_92 = arith.constant 0 : i32
      %dma_wait3A_93 = tpu.memref_slice %arg6[%run_scoped3A_16, %dma_wait3A, %dma_wait3A_92] : memref<2x128x128xf32, #tpu.memory_space<vmem>> -> memref<1x128x128xf32, #tpu.memory_space<vmem>>
      %dma_wait3A_94 = tpu.memref_squeeze %dma_wait3A_93 : memref<1x128x128xf32, #tpu.memory_space<vmem>> -> memref<128x128xf32, #tpu.memory_space<vmem>>
      %dma_wait3A_95 = arith.constant 0 : i32
      %dma_wait3A_96 = tpu.memref_slice %arg7[%add3A_15, %dma_wait3A_95] : memref<10112x128xf32, #tpu.memory_space<vmem_shared>> -> memref<128x128xf32, #tpu.memory_space<vmem_shared>>
      %dma_wait3A_97 = arith.constant 0 : i32
      %dma_wait3A_98 = tpu.memref_slice %arg7[%add3A_15, %dma_wait3A_97] : memref<10112x128xf32, #tpu.memory_space<vmem_shared>> -> memref<128x128xf32, #tpu.memory_space<vmem_shared>>
      %dma_wait3A_99 = arith.constant 0 : i32
      %dma_wait3A_100 = arith.constant 0 : i32
      %dma_wait3A_101 = tpu.memref_slice %arg6[%run_scoped3A_16, %dma_wait3A_99, %dma_wait3A_100] : memref<2x128x128xf32, #tpu.memory_space<vmem>> -> memref<1x128x128xf32, #tpu.memory_space<vmem>>
      %dma_wait3A_102 = tpu.memref_squeeze %dma_wait3A_101 : memref<1x128x128xf32, #tpu.memory_space<vmem>> -> memref<128x128xf32, #tpu.memory_space<vmem>>
      tpu.wait_dma2 semaphore(%run_scoped3A_79 : memref<!tpu.dma_semaphore, #tpu.memory_space<semaphore_mem>>) src(%dma_wait3A_102 : memref<128x128xf32, #tpu.memory_space<vmem>>) dst(%dma_wait3A_98 : memref<128x128xf32, #tpu.memory_space<vmem_shared>>)
      tpu.yield
    }) : () -> ()
    %add3A_17 = arith.constant 384 : i32
    %add3A_18 = arith.addi %mul3A_8, %add3A_17 : i32
    %run_scoped3A_19 = arith.constant 0 : i32
    "tpu.region"() ({
      %run_scoped3A_79 = tpu.sem_alloc : memref<!tpu.dma_semaphore, #tpu.memory_space<semaphore_mem>>
      %dma_start3A_80 = arith.constant 0 : i32
      %dma_start3A_81 = arith.constant 0 : i32
      %dma_start3A_82 = tpu.memref_slice %arg6[%run_scoped3A_19, %dma_start3A_80, %dma_start3A_81] : memref<2x128x128xf32, #tpu.memory_space<vmem>> -> memref<1x128x128xf32, #tpu.memory_space<vmem>>
      %dma_start3A_83 = tpu.memref_squeeze %dma_start3A_82 : memref<1x128x128xf32, #tpu.memory_space<vmem>> -> memref<128x128xf32, #tpu.memory_space<vmem>>
      %dma_start3A_84 = arith.constant 0 : i32
      %dma_start3A_85 = tpu.memref_slice %arg7[%add3A_18, %dma_start3A_84] : memref<10112x128xf32, #tpu.memory_space<vmem_shared>> -> memref<128x128xf32, #tpu.memory_space<vmem_shared>>
      %dma_start3A_86 = arith.constant 0 : i32
      %dma_start3A_87 = tpu.memref_slice %arg7[%add3A_18, %dma_start3A_86] : memref<10112x128xf32, #tpu.memory_space<vmem_shared>> -> memref<128x128xf32, #tpu.memory_space<vmem_shared>>
      %dma_start3A_88 = arith.constant 0 : i32
      %dma_start3A_89 = arith.constant 0 : i32
      %dma_start3A_90 = tpu.memref_slice %arg6[%run_scoped3A_19, %dma_start3A_88, %dma_start3A_89] : memref<2x128x128xf32, #tpu.memory_space<vmem>> -> memref<1x128x128xf32, #tpu.memory_space<vmem>>
      %dma_start3A_91 = tpu.memref_squeeze %dma_start3A_90 : memref<1x128x128xf32, #tpu.memory_space<vmem>> -> memref<128x128xf32, #tpu.memory_space<vmem>>
      tpu.enqueue_dma source(%dma_start3A_91 : memref<128x128xf32, #tpu.memory_space<vmem>>) target(%dma_start3A_87 : memref<128x128xf32, #tpu.memory_space<vmem_shared>>) target_semaphore(%run_scoped3A_79 : memref<!tpu.dma_semaphore, #tpu.memory_space<semaphore_mem>>)
      %dma_wait3A = arith.constant 0 : i32
      %dma_wait3A_92 = arith.constant 0 : i32
      %dma_wait3A_93 = tpu.memref_slice %arg6[%run_scoped3A_19, %dma_wait3A, %dma_wait3A_92] : memref<2x128x128xf32, #tpu.memory_space<vmem>> -> memref<1x128x128xf32, #tpu.memory_space<vmem>>
      %dma_wait3A_94 = tpu.memref_squeeze %dma_wait3A_93 : memref<1x128x128xf32, #tpu.memory_space<vmem>> -> memref<128x128xf32, #tpu.memory_space<vmem>>
      %dma_wait3A_95 = arith.constant 0 : i32
      %dma_wait3A_96 = tpu.memref_slice %arg7[%add3A_18, %dma_wait3A_95] : memref<10112x128xf32, #tpu.memory_space<vmem_shared>> -> memref<128x128xf32, #tpu.memory_space<vmem_shared>>
      %dma_wait3A_97 = arith.constant 0 : i32
      %dma_wait3A_98 = tpu.memref_slice %arg7[%add3A_18, %dma_wait3A_97] : memref<10112x128xf32, #tpu.memory_space<vmem_shared>> -> memref<128x128xf32, #tpu.memory_space<vmem_shared>>
      %dma_wait3A_99 = arith.constant 0 : i32
      %dma_wait3A_100 = arith.constant 0 : i32
      %dma_wait3A_101 = tpu.memref_slice %arg6[%run_scoped3A_19, %dma_wait3A_99, %dma_wait3A_100] : memref<2x128x128xf32, #tpu.memory_space<vmem>> -> memref<1x128x128xf32, #tpu.memory_space<vmem>>
      %dma_wait3A_102 = tpu.memref_squeeze %dma_wait3A_101 : memref<1x128x128xf32, #tpu.memory_space<vmem>> -> memref<128x128xf32, #tpu.memory_space<vmem>>
      tpu.wait_dma2 semaphore(%run_scoped3A_79 : memref<!tpu.dma_semaphore, #tpu.memory_space<semaphore_mem>>) src(%dma_wait3A_102 : memref<128x128xf32, #tpu.memory_space<vmem>>) dst(%dma_wait3A_98 : memref<128x128xf32, #tpu.memory_space<vmem_shared>>)
      tpu.yield
    }) : () -> ()
    %add3A_20 = arith.constant 512 : i32
    %add3A_21 = arith.addi %mul3A_8, %add3A_20 : i32
    %run_scoped3A_22 = arith.constant 0 : i32
    "tpu.region"() ({
      %run_scoped3A_79 = tpu.sem_alloc : memref<!tpu.dma_semaphore, #tpu.memory_space<semaphore_mem>>
      %dma_start3A_80 = arith.constant 0 : i32
      %dma_start3A_81 = arith.constant 0 : i32
      %dma_start3A_82 = tpu.memref_slice %arg6[%run_scoped3A_22, %dma_start3A_80, %dma_start3A_81] : memref<2x128x128xf32, #tpu.memory_space<vmem>> -> memref<1x120x128xf32, #tpu.memory_space<vmem>>
      %dma_start3A_83 = tpu.memref_squeeze %dma_start3A_82 : memref<1x120x128xf32, #tpu.memory_space<vmem>> -> memref<120x128xf32, #tpu.memory_space<vmem>>
      %dma_start3A_84 = arith.constant 0 : i32
      %dma_start3A_85 = tpu.memref_slice %arg7[%add3A_21, %dma_start3A_84] : memref<10112x128xf32, #tpu.memory_space<vmem_shared>> -> memref<120x128xf32, #tpu.memory_space<vmem_shared>>
      %dma_start3A_86 = arith.constant 0 : i32
      %dma_start3A_87 = tpu.memref_slice %arg7[%add3A_21, %dma_start3A_86] : memref<10112x128xf32, #tpu.memory_space<vmem_shared>> -> memref<120x128xf32, #tpu.memory_space<vmem_shared>>
      %dma_start3A_88 = arith.constant 0 : i32
      %dma_start3A_89 = arith.constant 0 : i32
      %dma_start3A_90 = tpu.memref_slice %arg6[%run_scoped3A_22, %dma_start3A_88, %dma_start3A_89] : memref<2x128x128xf32, #tpu.memory_space<vmem>> -> memref<1x120x128xf32, #tpu.memory_space<vmem>>
      %dma_start3A_91 = tpu.memref_squeeze %dma_start3A_90 : memref<1x120x128xf32, #tpu.memory_space<vmem>> -> memref<120x128xf32, #tpu.memory_space<vmem>>
      tpu.enqueue_dma source(%dma_start3A_91 : memref<120x128xf32, #tpu.memory_space<vmem>>) target(%dma_start3A_87 : memref<120x128xf32, #tpu.memory_space<vmem_shared>>) target_semaphore(%run_scoped3A_79 : memref<!tpu.dma_semaphore, #tpu.memory_space<semaphore_mem>>)
      %dma_wait3A = arith.constant 0 : i32
      %dma_wait3A_92 = arith.constant 0 : i32
      %dma_wait3A_93 = tpu.memref_slice %arg6[%run_scoped3A_22, %dma_wait3A, %dma_wait3A_92] : memref<2x128x128xf32, #tpu.memory_space<vmem>> -> memref<1x120x128xf32, #tpu.memory_space<vmem>>
      %dma_wait3A_94 = tpu.memref_squeeze %dma_wait3A_93 : memref<1x120x128xf32, #tpu.memory_space<vmem>> -> memref<120x128xf32, #tpu.memory_space<vmem>>
      %dma_wait3A_95 = arith.constant 0 : i32
      %dma_wait3A_96 = tpu.memref_slice %arg7[%add3A_21, %dma_wait3A_95] : memref<10112x128xf32, #tpu.memory_space<vmem_shared>> -> memref<120x128xf32, #tpu.memory_space<vmem_shared>>
      %dma_wait3A_97 = arith.constant 0 : i32
      %dma_wait3A_98 = tpu.memref_slice %arg7[%add3A_21, %dma_wait3A_97] : memref<10112x128xf32, #tpu.memory_space<vmem_shared>> -> memref<120x128xf32, #tpu.memory_space<vmem_shared>>
      %dma_wait3A_99 = arith.constant 0 : i32
      %dma_wait3A_100 = arith.constant 0 : i32
      %dma_wait3A_101 = tpu.memref_slice %arg6[%run_scoped3A_22, %dma_wait3A_99, %dma_wait3A_100] : memref<2x128x128xf32, #tpu.memory_space<vmem>> -> memref<1x120x128xf32, #tpu.memory_space<vmem>>
      %dma_wait3A_102 = tpu.memref_squeeze %dma_wait3A_101 : memref<1x120x128xf32, #tpu.memory_space<vmem>> -> memref<120x128xf32, #tpu.memory_space<vmem>>
      tpu.wait_dma2 semaphore(%run_scoped3A_79 : memref<!tpu.dma_semaphore, #tpu.memory_space<semaphore_mem>>) src(%dma_wait3A_102 : memref<120x128xf32, #tpu.memory_space<vmem>>) dst(%dma_wait3A_98 : memref<120x128xf32, #tpu.memory_space<vmem_shared>>)
      tpu.yield
    }) : () -> ()
    %barrier3A = arith.constant 0 : index
    tpu.barrier barrier_id(%barrier3A)
    %run_scoped3A_23 = arith.constant 0 : i32
    "tpu.region"() ({
      %run_scoped3A_79 = tpu.sem_alloc : memref<!tpu.dma_semaphore, #tpu.memory_space<semaphore_mem>>
      %dma_start3A_80 = arith.constant 0 : i32
      %dma_start3A_81 = arith.constant 0 : i32
      %dma_start3A_82 = arith.constant 0 : i32
      %dma_start3A_83 = tpu.memref_slice %arg5[%run_scoped3A_23, %dma_start3A_80, %dma_start3A_81, %dma_start3A_82] : memref<2x8x2x128xi32, #tpu.memory_space<vmem>> -> memref<1x8x2x128xi32, #tpu.memory_space<vmem>>
      %dma_start3A_84 = tpu.memref_squeeze %dma_start3A_83 : memref<1x8x2x128xi32, #tpu.memory_space<vmem>> -> memref<8x2x128xi32, #tpu.memory_space<vmem>>
      %dma_start3A_85 = arith.constant 0 : i32
      %dma_start3A_86 = arith.constant 0 : i32
      %dma_start3A_87 = arith.constant 0 : i32
      %dma_start3A_88 = tpu.memref_slice %arg3[%add3A, %dma_start3A_85, %dma_start3A_86, %dma_start3A_87] : memref<32x80x2x128xi32, #tpu.memory_space<hbm>> -> memref<1x8x2x128xi32, #tpu.memory_space<hbm>>
      %dma_start3A_89 = tpu.memref_squeeze %dma_start3A_88 : memref<1x8x2x128xi32, #tpu.memory_space<hbm>> -> memref<8x2x128xi32, #tpu.memory_space<hbm>>
      %dma_start3A_90 = arith.constant 0 : i32
      %dma_start3A_91 = arith.constant 0 : i32
      %dma_start3A_92 = arith.constant 0 : i32
      %dma_start3A_93 = tpu.memref_slice %arg5[%run_scoped3A_23, %dma_start3A_90, %dma_start3A_91, %dma_start3A_92] : memref<2x8x2x128xi32, #tpu.memory_space<vmem>> -> memref<1x8x2x128xi32, #tpu.memory_space<vmem>>
      %dma_start3A_94 = tpu.memref_squeeze %dma_start3A_93 : memref<1x8x2x128xi32, #tpu.memory_space<vmem>> -> memref<8x2x128xi32, #tpu.memory_space<vmem>>
      %dma_start3A_95 = arith.constant 0 : i32
      %dma_start3A_96 = arith.constant 0 : i32
      %dma_start3A_97 = arith.constant 0 : i32
      %dma_start3A_98 = tpu.memref_slice %arg3[%add3A, %dma_start3A_95, %dma_start3A_96, %dma_start3A_97] : memref<32x80x2x128xi32, #tpu.memory_space<hbm>> -> memref<1x8x2x128xi32, #tpu.memory_space<hbm>>
      %dma_start3A_99 = tpu.memref_squeeze %dma_start3A_98 : memref<1x8x2x128xi32, #tpu.memory_space<hbm>> -> memref<8x2x128xi32, #tpu.memory_space<hbm>>
      tpu.enqueue_dma source(%dma_start3A_99 : memref<8x2x128xi32, #tpu.memory_space<hbm>>) target(%dma_start3A_94 : memref<8x2x128xi32, #tpu.memory_space<vmem>>) target_semaphore(%run_scoped3A_79 : memref<!tpu.dma_semaphore, #tpu.memory_space<semaphore_mem>>)
      %dma_wait3A = arith.constant 0 : i32
      %dma_wait3A_100 = arith.constant 0 : i32
      %dma_wait3A_101 = arith.constant 0 : i32
      %dma_wait3A_102 = tpu.memref_slice %arg5[%run_scoped3A_23, %dma_wait3A, %dma_wait3A_100, %dma_wait3A_101] : memref<2x8x2x128xi32, #tpu.memory_space<vmem>> -> memref<1x8x2x128xi32, #tpu.memory_space<vmem>>
      %dma_wait3A_103 = tpu.memref_squeeze %dma_wait3A_102 : memref<1x8x2x128xi32, #tpu.memory_space<vmem>> -> memref<8x2x128xi32, #tpu.memory_space<vmem>>
      %dma_wait3A_104 = arith.constant 0 : i32
      %dma_wait3A_105 = arith.constant 0 : i32
      %dma_wait3A_106 = arith.constant 0 : i32
      %dma_wait3A_107 = tpu.memref_slice %arg3[%add3A, %dma_wait3A_104, %dma_wait3A_105, %dma_wait3A_106] : memref<32x80x2x128xi32, #tpu.memory_space<hbm>> -> memref<1x8x2x128xi32, #tpu.memory_space<hbm>>
      %dma_wait3A_108 = tpu.memref_squeeze %dma_wait3A_107 : memref<1x8x2x128xi32, #tpu.memory_space<hbm>> -> memref<8x2x128xi32, #tpu.memory_space<hbm>>
      %dma_wait3A_109 = arith.constant 0 : i32
      %dma_wait3A_110 = arith.constant 0 : i32
      %dma_wait3A_111 = arith.constant 0 : i32
      %dma_wait3A_112 = tpu.memref_slice %arg5[%run_scoped3A_23, %dma_wait3A_109, %dma_wait3A_110, %dma_wait3A_111] : memref<2x8x2x128xi32, #tpu.memory_space<vmem>> -> memref<1x8x2x128xi32, #tpu.memory_space<vmem>>
      %dma_wait3A_113 = tpu.memref_squeeze %dma_wait3A_112 : memref<1x8x2x128xi32, #tpu.memory_space<vmem>> -> memref<8x2x128xi32, #tpu.memory_space<vmem>>
      %dma_wait3A_114 = arith.constant 0 : i32
      %dma_wait3A_115 = arith.constant 0 : i32
      %dma_wait3A_116 = arith.constant 0 : i32
      %dma_wait3A_117 = tpu.memref_slice %arg3[%add3A, %dma_wait3A_114, %dma_wait3A_115, %dma_wait3A_116] : memref<32x80x2x128xi32, #tpu.memory_space<hbm>> -> memref<1x8x2x128xi32, #tpu.memory_space<hbm>>
      %dma_wait3A_118 = tpu.memref_squeeze %dma_wait3A_117 : memref<1x8x2x128xi32, #tpu.memory_space<hbm>> -> memref<8x2x128xi32, #tpu.memory_space<hbm>>
      tpu.wait_dma2 semaphore(%run_scoped3A_79 : memref<!tpu.dma_semaphore, #tpu.memory_space<semaphore_mem>>) src(%dma_wait3A_118 : memref<8x2x128xi32, #tpu.memory_space<hbm>>) dst(%dma_wait3A_113 : memref<8x2x128xi32, #tpu.memory_space<vmem>>)
      tpu.yield
    }) : () -> ()
    %dma_start3A = arith.constant 0 : i32
    %dma_start3A_24 = arith.constant 0 : i32
    %dma_start3A_25 = arith.constant 0 : i32
    %dma_start3A_26 = arith.constant 0 : i32
    %dma_start3A_27 = arith.constant 0 : i32
    %dma_start3A_28 = arith.constant 0 : i32
    %dma_start3A_29 = tpu.memref_slice %arg6[%dma_start3A_26, %dma_start3A_27, %dma_start3A_28] : memref<2x128x128xf32, #tpu.memory_space<vmem>> -> memref<1x128x128xf32, #tpu.memory_space<vmem>>
    %dma_start3A_30 = tpu.memref_squeeze %dma_start3A_29 : memref<1x128x128xf32, #tpu.memory_space<vmem>> -> memref<128x128xf32, #tpu.memory_space<vmem>>
    %dma_start3A_31 = arith.constant 0 : i32
    %dma_start3A_32 = tpu.memref_slice %arg5[%dma_start3A, %dma_start3A_24, %dma_start3A_25, %dma_start3A_31] : memref<2x8x2x128xi32, #tpu.memory_space<vmem>> -> memref<1x1x1x128xi32, #tpu.memory_space<vmem>>
    %dma_start3A_33 = tpu.memref_squeeze %dma_start3A_32 : memref<1x1x1x128xi32, #tpu.memory_space<vmem>> -> memref<128xi32, #tpu.memory_space<vmem>>
    %dma_start3A_34 = arith.constant 0 : i32
    %dma_start3A_35 = arith.constant 0 : i32
    %dma_start3A_36 = tpu.memref_slice %arg2[%dma_start3A_34, %dma_start3A_35] : memref<10000x128xf32, #tpu.memory_space<hbm>> -> memref<10000x128xf32, #tpu.memory_space<hbm>>
    tpu.enqueue_indirect_dma source(%dma_start3A_36 : memref<10000x128xf32, #tpu.memory_space<hbm>>) target(%dma_start3A_30 : memref<128x128xf32, #tpu.memory_space<vmem>>) offsets(%dma_start3A_33 : memref<128xi32, #tpu.memory_space<vmem>>) semaphore(%arg8 : memref<!tpu.dma_semaphore, #tpu.memory_space<semaphore_mem>>)
    %dma_start3A_37 = arith.constant 0 : i32
    %dma_start3A_38 = arith.constant 1 : i32
    %dma_start3A_39 = arith.constant 0 : i32
    %dma_start3A_40 = arith.constant 1 : i32
    %dma_start3A_41 = arith.constant 0 : i32
    %dma_start3A_42 = arith.constant 0 : i32
    %dma_start3A_43 = tpu.memref_slice %arg6[%dma_start3A_40, %dma_start3A_41, %dma_start3A_42] : memref<2x128x128xf32, #tpu.memory_space<vmem>> -> memref<1x128x128xf32, #tpu.memory_space<vmem>>
    %dma_start3A_44 = tpu.memref_squeeze %dma_start3A_43 : memref<1x128x128xf32, #tpu.memory_space<vmem>> -> memref<128x128xf32, #tpu.memory_space<vmem>>
    %dma_start3A_45 = arith.constant 0 : i32
    %dma_start3A_46 = tpu.memref_slice %arg5[%dma_start3A_37, %dma_start3A_38, %dma_start3A_39, %dma_start3A_45] : memref<2x8x2x128xi32, #tpu.memory_space<vmem>> -> memref<1x1x1x128xi32, #tpu.memory_space<vmem>>
    %dma_start3A_47 = tpu.memref_squeeze %dma_start3A_46 : memref<1x1x1x128xi32, #tpu.memory_space<vmem>> -> memref<128xi32, #tpu.memory_space<vmem>>
    %dma_start3A_48 = arith.constant 0 : i32
    %dma_start3A_49 = arith.constant 0 : i32
    %dma_start3A_50 = tpu.memref_slice %arg2[%dma_start3A_48, %dma_start3A_49] : memref<10000x128xf32, #tpu.memory_space<hbm>> -> memref<10000x128xf32, #tpu.memory_space<hbm>>
    tpu.enqueue_indirect_dma source(%dma_start3A_50 : memref<10000x128xf32, #tpu.memory_space<hbm>>) target(%dma_start3A_44 : memref<128x128xf32, #tpu.memory_space<vmem>>) offsets(%dma_start3A_47 : memref<128xi32, #tpu.memory_space<vmem>>) semaphore(%arg9 : memref<!tpu.dma_semaphore, #tpu.memory_space<semaphore_mem>>)
    %dma_start3A_51 = arith.constant 1 : i32
    %dma_start3A_52 = arith.constant 0 : i32
    %dma_start3A_53 = arith.constant 0 : i32
    %dma_start3A_54 = arith.constant 0 : i32
    %dma_start3A_55 = tpu.memref_slice %arg5[%dma_start3A_51, %dma_start3A_52, %dma_start3A_53, %dma_start3A_54] : memref<2x8x2x128xi32, #tpu.memory_space<vmem>> -> memref<1x8x2x128xi32, #tpu.memory_space<vmem>>
    %dma_start3A_56 = tpu.memref_squeeze %dma_start3A_55 : memref<1x8x2x128xi32, #tpu.memory_space<vmem>> -> memref<8x2x128xi32, #tpu.memory_space<vmem>>
    %dma_start3A_57 = arith.constant 8 : i32
    %dma_start3A_58 = arith.constant 0 : i32
    %dma_start3A_59 = arith.constant 0 : i32
    %dma_start3A_60 = tpu.memref_slice %arg3[%add3A, %dma_start3A_57, %dma_start3A_58, %dma_start3A_59] : memref<32x80x2x128xi32, #tpu.memory_space<hbm>> -> memref<1x8x2x128xi32, #tpu.memory_space<hbm>>
    %dma_start3A_61 = tpu.memref_squeeze %dma_start3A_60 : memref<1x8x2x128xi32, #tpu.memory_space<hbm>> -> memref<8x2x128xi32, #tpu.memory_space<hbm>>
    %dma_start3A_62 = arith.constant 0 : i32
    %dma_start3A_63 = arith.constant 0 : i32
    %dma_start3A_64 = arith.constant 0 : i32
    %dma_start3A_65 = tpu.memref_slice %arg5[%dma_start3A_51, %dma_start3A_62, %dma_start3A_63, %dma_start3A_64] : memref<2x8x2x128xi32, #tpu.memory_space<vmem>> -> memref<1x8x2x128xi32, #tpu.memory_space<vmem>>
    %dma_start3A_66 = tpu.memref_squeeze %dma_start3A_65 : memref<1x8x2x128xi32, #tpu.memory_space<vmem>> -> memref<8x2x128xi32, #tpu.memory_space<vmem>>
    %dma_start3A_67 = arith.constant 8 : i32
    %dma_start3A_68 = arith.constant 0 : i32
    %dma_start3A_69 = arith.constant 0 : i32
    %dma_start3A_70 = tpu.memref_slice %arg3[%add3A, %dma_start3A_67, %dma_start3A_68, %dma_start3A_69] : memref<32x80x2x128xi32, #tpu.memory_space<hbm>> -> memref<1x8x2x128xi32, #tpu.memory_space<hbm>>
    %dma_start3A_71 = tpu.memref_squeeze %dma_start3A_70 : memref<1x8x2x128xi32, #tpu.memory_space<hbm>> -> memref<8x2x128xi32, #tpu.memory_space<hbm>>
    tpu.enqueue_dma source(%dma_start3A_71 : memref<8x2x128xi32, #tpu.memory_space<hbm>>) target(%dma_start3A_66 : memref<8x2x128xi32, #tpu.memory_space<vmem>>) target_semaphore(%arg11 : memref<!tpu.dma_semaphore, #tpu.memory_space<semaphore_mem>>)
    %scan3A_72 = arith.constant 0 : i32
    %scan3A_73 = arith.constant 0 : i32
    %scan3A_74 = arith.constant 5 : i32
    %scan3A_75 = arith.addi %scan3A_73, %scan3A_74 : i32
    %scan3A_76 = arith.constant 1 : i32
    scf.for %scan3A_79 = %scan3A_73 to %scan3A_75 step %scan3A_76  : i32 {
      %mul3A_80 = arith.constant 2 : i32
      %mul3A_81 = arith.muli %scan3A_79, %mul3A_80 : i32
      %scan3A_82 = arith.constant 0 : i32
      %scan3A_83 = arith.constant 0 : i32
      %scan3A_84 = arith.constant 3 : i32
      %scan3A_85 = arith.addi %scan3A_83, %scan3A_84 : i32
      %scan3A_86 = arith.constant 1 : i32
      scf.for %scan3A_194 = %scan3A_83 to %scan3A_85 step %scan3A_86  : i32 {
        %mul3A_195 = arith.constant 2 : i32
        %mul3A_196 = arith.muli %scan3A_194, %mul3A_195 : i32
        %dma_wait3A_197 = arith.constant 0 : i32
        %dma_wait3A_198 = arith.constant 0 : i32
        %dma_wait3A_199 = arith.constant 0 : i32
        %dma_wait3A_200 = arith.constant 0 : i32
        %dma_wait3A_201 = arith.constant 0 : i32
        %dma_wait3A_202 = tpu.memref_slice %arg6[%dma_wait3A_199, %dma_wait3A_200, %dma_wait3A_201] : memref<2x128x128xf32, #tpu.memory_space<vmem>> -> memref<1x128x128xf32, #tpu.memory_space<vmem>>
        %dma_wait3A_203 = tpu.memref_squeeze %dma_wait3A_202 : memref<1x128x128xf32, #tpu.memory_space<vmem>> -> memref<128x128xf32, #tpu.memory_space<vmem>>
        %dma_wait3A_204 = arith.constant 0 : i32
        %dma_wait3A_205 = tpu.memref_slice %arg5[%dma_wait3A_197, %mul3A_196, %dma_wait3A_198, %dma_wait3A_204] : memref<2x8x2x128xi32, #tpu.memory_space<vmem>> -> memref<1x1x1x128xi32, #tpu.memory_space<vmem>>
        %dma_wait3A_206 = tpu.memref_squeeze %dma_wait3A_205 : memref<1x1x1x128xi32, #tpu.memory_space<vmem>> -> memref<128xi32, #tpu.memory_space<vmem>>
        %dma_wait3A_207 = arith.constant 0 : i32
        %dma_wait3A_208 = arith.constant 0 : i32
        %dma_wait3A_209 = tpu.memref_slice %arg2[%dma_wait3A_207, %dma_wait3A_208] : memref<10000x128xf32, #tpu.memory_space<hbm>> -> memref<10000x128xf32, #tpu.memory_space<hbm>>
        tpu.wait_indirect_dma semaphore(%arg8 : memref<!tpu.dma_semaphore, #tpu.memory_space<semaphore_mem>>) src(%dma_wait3A_209 : memref<10000x128xf32, #tpu.memory_space<hbm>>) dst(%dma_wait3A_203 : memref<128x128xf32, #tpu.memory_space<vmem>>)
        %run_scoped3A_210 = arith.constant 0 : i32
        %run_scoped3A_211 = arith.constant 0 : i32
        %run_scoped3A_212 = arith.constant 1 : i32
        "tpu.region"() ({
          %run_scoped3A_263 = tpu.sem_alloc : memref<!tpu.dma_semaphore, #tpu.memory_space<semaphore_mem>>
          %dma_start3A_264 = arith.constant 0 : i32
          %dma_start3A_265 = arith.constant 0 : i32
          %dma_start3A_266 = tpu.memref_slice %arg6[%run_scoped3A_210, %dma_start3A_264, %dma_start3A_265] : memref<2x128x128xf32, #tpu.memory_space<vmem>> -> memref<1x128x128xf32, #tpu.memory_space<vmem>>
          %dma_start3A_267 = tpu.memref_squeeze %dma_start3A_266 : memref<1x128x128xf32, #tpu.memory_space<vmem>> -> memref<128x128xf32, #tpu.memory_space<vmem>>
          %dma_start3A_268 = arith.constant 0 : i32
          %dma_start3A_269 = tpu.memref_slice %arg5[%run_scoped3A_211, %mul3A_196, %run_scoped3A_212, %dma_start3A_268] : memref<2x8x2x128xi32, #tpu.memory_space<vmem>> -> memref<1x1x1x128xi32, #tpu.memory_space<vmem>>
          %dma_start3A_270 = tpu.memref_squeeze %dma_start3A_269 : memref<1x1x1x128xi32, #tpu.memory_space<vmem>> -> memref<128xi32, #tpu.memory_space<vmem>>
          %dma_start3A_271 = arith.constant 0 : i32
          %dma_start3A_272 = arith.constant 0 : i32
          %dma_start3A_273 = tpu.memref_slice %arg7[%dma_start3A_271, %dma_start3A_272] : memref<10112x128xf32, #tpu.memory_space<vmem_shared>> -> memref<10112x128xf32, #tpu.memory_space<vmem_shared>>
          tpu.enqueue_indirect_dma source(%dma_start3A_267 : memref<128x128xf32, #tpu.memory_space<vmem>>) target(%dma_start3A_273 : memref<10112x128xf32, #tpu.memory_space<vmem_shared>>) offsets(%dma_start3A_270 : memref<128xi32, #tpu.memory_space<vmem>>) semaphore(%run_scoped3A_263 : memref<!tpu.dma_semaphore, #tpu.memory_space<semaphore_mem>>) {add = true}
          %dma_wait3A_274 = arith.constant 0 : i32
          %dma_wait3A_275 = arith.constant 0 : i32
          %dma_wait3A_276 = tpu.memref_slice %arg6[%run_scoped3A_210, %dma_wait3A_274, %dma_wait3A_275] : memref<2x128x128xf32, #tpu.memory_space<vmem>> -> memref<1x128x128xf32, #tpu.memory_space<vmem>>
          %dma_wait3A_277 = tpu.memref_squeeze %dma_wait3A_276 : memref<1x128x128xf32, #tpu.memory_space<vmem>> -> memref<128x128xf32, #tpu.memory_space<vmem>>
          %dma_wait3A_278 = arith.constant 0 : i32
          %dma_wait3A_279 = tpu.memref_slice %arg5[%run_scoped3A_211, %mul3A_196, %run_scoped3A_212, %dma_wait3A_278] : memref<2x8x2x128xi32, #tpu.memory_space<vmem>> -> memref<1x1x1x128xi32, #tpu.memory_space<vmem>>
          %dma_wait3A_280 = tpu.memref_squeeze %dma_wait3A_279 : memref<1x1x1x128xi32, #tpu.memory_space<vmem>> -> memref<128xi32, #tpu.memory_space<vmem>>
          %dma_wait3A_281 = arith.constant 0 : i32
          %dma_wait3A_282 = arith.constant 0 : i32
          %dma_wait3A_283 = tpu.memref_slice %arg7[%dma_wait3A_281, %dma_wait3A_282] : memref<10112x128xf32, #tpu.memory_space<vmem_shared>> -> memref<10112x128xf32, #tpu.memory_space<vmem_shared>>
          tpu.wait_indirect_dma semaphore(%run_scoped3A_263 : memref<!tpu.dma_semaphore, #tpu.memory_space<semaphore_mem>>) src(%dma_wait3A_277 : memref<128x128xf32, #tpu.memory_space<vmem>>) dst(%dma_wait3A_283 : memref<10112x128xf32, #tpu.memory_space<vmem_shared>>)
          tpu.yield
        }) : () -> ()
        %add3A_213 = arith.constant 2 : i32
        %add3A_214 = arith.addi %mul3A_196, %add3A_213 : i32
        %dma_start3A_215 = arith.constant 0 : i32
        %dma_start3A_216 = arith.constant 0 : i32
        %dma_start3A_217 = arith.constant 0 : i32
        %dma_start3A_218 = arith.constant 0 : i32
        %dma_start3A_219 = arith.constant 0 : i32
        %dma_start3A_220 = tpu.memref_slice %arg6[%dma_start3A_217, %dma_start3A_218, %dma_start3A_219] : memref<2x128x128xf32, #tpu.memory_space<vmem>> -> memref<1x128x128xf32, #tpu.memory_space<vmem>>
        %dma_start3A_221 = tpu.memref_squeeze %dma_start3A_220 : memref<1x128x128xf32, #tpu.memory_space<vmem>> -> memref<128x128xf32, #tpu.memory_space<vmem>>
        %dma_start3A_222 = arith.constant 0 : i32
        %dma_start3A_223 = tpu.memref_slice %arg5[%dma_start3A_215, %add3A_214, %dma_start3A_216, %dma_start3A_222] : memref<2x8x2x128xi32, #tpu.memory_space<vmem>> -> memref<1x1x1x128xi32, #tpu.memory_space<vmem>>
        %dma_start3A_224 = tpu.memref_squeeze %dma_start3A_223 : memref<1x1x1x128xi32, #tpu.memory_space<vmem>> -> memref<128xi32, #tpu.memory_space<vmem>>
        %dma_start3A_225 = arith.constant 0 : i32
        %dma_start3A_226 = arith.constant 0 : i32
        %dma_start3A_227 = tpu.memref_slice %arg2[%dma_start3A_225, %dma_start3A_226] : memref<10000x128xf32, #tpu.memory_space<hbm>> -> memref<10000x128xf32, #tpu.memory_space<hbm>>
        tpu.enqueue_indirect_dma source(%dma_start3A_227 : memref<10000x128xf32, #tpu.memory_space<hbm>>) target(%dma_start3A_221 : memref<128x128xf32, #tpu.memory_space<vmem>>) offsets(%dma_start3A_224 : memref<128xi32, #tpu.memory_space<vmem>>) semaphore(%arg8 : memref<!tpu.dma_semaphore, #tpu.memory_space<semaphore_mem>>)
        %mul3A_228 = arith.constant 2 : i32
        %mul3A_229 = arith.muli %scan3A_194, %mul3A_228 : i32
        %add3A_230 = arith.constant 1 : i32
        %add3A_231 = arith.addi %mul3A_229, %add3A_230 : i32
        %dma_wait3A_232 = arith.constant 0 : i32
        %dma_wait3A_233 = arith.constant 0 : i32
        %dma_wait3A_234 = arith.constant 1 : i32
        %dma_wait3A_235 = arith.constant 0 : i32
        %dma_wait3A_236 = arith.constant 0 : i32
        %dma_wait3A_237 = tpu.memref_slice %arg6[%dma_wait3A_234, %dma_wait3A_235, %dma_wait3A_236] : memref<2x128x128xf32, #tpu.memory_space<vmem>> -> memref<1x128x128xf32, #tpu.memory_space<vmem>>
        %dma_wait3A_238 = tpu.memref_squeeze %dma_wait3A_237 : memref<1x128x128xf32, #tpu.memory_space<vmem>> -> memref<128x128xf32, #tpu.memory_space<vmem>>
        %dma_wait3A_239 = arith.constant 0 : i32
        %dma_wait3A_240 = tpu.memref_slice %arg5[%dma_wait3A_232, %add3A_231, %dma_wait3A_233, %dma_wait3A_239] : memref<2x8x2x128xi32, #tpu.memory_space<vmem>> -> memref<1x1x1x128xi32, #tpu.memory_space<vmem>>
        %dma_wait3A_241 = tpu.memref_squeeze %dma_wait3A_240 : memref<1x1x1x128xi32, #tpu.memory_space<vmem>> -> memref<128xi32, #tpu.memory_space<vmem>>
        %dma_wait3A_242 = arith.constant 0 : i32
        %dma_wait3A_243 = arith.constant 0 : i32
        %dma_wait3A_244 = tpu.memref_slice %arg2[%dma_wait3A_242, %dma_wait3A_243] : memref<10000x128xf32, #tpu.memory_space<hbm>> -> memref<10000x128xf32, #tpu.memory_space<hbm>>
        tpu.wait_indirect_dma semaphore(%arg9 : memref<!tpu.dma_semaphore, #tpu.memory_space<semaphore_mem>>) src(%dma_wait3A_244 : memref<10000x128xf32, #tpu.memory_space<hbm>>) dst(%dma_wait3A_238 : memref<128x128xf32, #tpu.memory_space<vmem>>)
        %run_scoped3A_245 = arith.constant 1 : i32
        %run_scoped3A_246 = arith.constant 0 : i32
        %run_scoped3A_247 = arith.constant 1 : i32
        "tpu.region"() ({
          %run_scoped3A_263 = tpu.sem_alloc : memref<!tpu.dma_semaphore, #tpu.memory_space<semaphore_mem>>
          %dma_start3A_264 = arith.constant 0 : i32
          %dma_start3A_265 = arith.constant 0 : i32
          %dma_start3A_266 = tpu.memref_slice %arg6[%run_scoped3A_245, %dma_start3A_264, %dma_start3A_265] : memref<2x128x128xf32, #tpu.memory_space<vmem>> -> memref<1x128x128xf32, #tpu.memory_space<vmem>>
          %dma_start3A_267 = tpu.memref_squeeze %dma_start3A_266 : memref<1x128x128xf32, #tpu.memory_space<vmem>> -> memref<128x128xf32, #tpu.memory_space<vmem>>
          %dma_start3A_268 = arith.constant 0 : i32
          %dma_start3A_269 = tpu.memref_slice %arg5[%run_scoped3A_246, %add3A_231, %run_scoped3A_247, %dma_start3A_268] : memref<2x8x2x128xi32, #tpu.memory_space<vmem>> -> memref<1x1x1x128xi32, #tpu.memory_space<vmem>>
          %dma_start3A_270 = tpu.memref_squeeze %dma_start3A_269 : memref<1x1x1x128xi32, #tpu.memory_space<vmem>> -> memref<128xi32, #tpu.memory_space<vmem>>
          %dma_start3A_271 = arith.constant 0 : i32
          %dma_start3A_272 = arith.constant 0 : i32
          %dma_start3A_273 = tpu.memref_slice %arg7[%dma_start3A_271, %dma_start3A_272] : memref<10112x128xf32, #tpu.memory_space<vmem_shared>> -> memref<10112x128xf32, #tpu.memory_space<vmem_shared>>
          tpu.enqueue_indirect_dma source(%dma_start3A_267 : memref<128x128xf32, #tpu.memory_space<vmem>>) target(%dma_start3A_273 : memref<10112x128xf32, #tpu.memory_space<vmem_shared>>) offsets(%dma_start3A_270 : memref<128xi32, #tpu.memory_space<vmem>>) semaphore(%run_scoped3A_263 : memref<!tpu.dma_semaphore, #tpu.memory_space<semaphore_mem>>) {add = true}
          %dma_wait3A_274 = arith.constant 0 : i32
          %dma_wait3A_275 = arith.constant 0 : i32
          %dma_wait3A_276 = tpu.memref_slice %arg6[%run_scoped3A_245, %dma_wait3A_274, %dma_wait3A_275] : memref<2x128x128xf32, #tpu.memory_space<vmem>> -> memref<1x128x128xf32, #tpu.memory_space<vmem>>
          %dma_wait3A_277 = tpu.memref_squeeze %dma_wait3A_276 : memref<1x128x128xf32, #tpu.memory_space<vmem>> -> memref<128x128xf32, #tpu.memory_space<vmem>>
          %dma_wait3A_278 = arith.constant 0 : i32
          %dma_wait3A_279 = tpu.memref_slice %arg5[%run_scoped3A_246, %add3A_231, %run_scoped3A_247, %dma_wait3A_278] : memref<2x8x2x128xi32, #tpu.memory_space<vmem>> -> memref<1x1x1x128xi32, #tpu.memory_space<vmem>>
          %dma_wait3A_280 = tpu.memref_squeeze %dma_wait3A_279 : memref<1x1x1x128xi32, #tpu.memory_space<vmem>> -> memref<128xi32, #tpu.memory_space<vmem>>
          %dma_wait3A_281 = arith.constant 0 : i32
          %dma_wait3A_282 = arith.constant 0 : i32
          %dma_wait3A_283 = tpu.memref_slice %arg7[%dma_wait3A_281, %dma_wait3A_282] : memref<10112x128xf32, #tpu.memory_space<vmem_shared>> -> memref<10112x128xf32, #tpu.memory_space<vmem_shared>>
          tpu.wait_indirect_dma semaphore(%run_scoped3A_263 : memref<!tpu.dma_semaphore, #tpu.memory_space<semaphore_mem>>) src(%dma_wait3A_277 : memref<128x128xf32, #tpu.memory_space<vmem>>) dst(%dma_wait3A_283 : memref<10112x128xf32, #tpu.memory_space<vmem_shared>>)
          tpu.yield
        }) : () -> ()
        %add3A_248 = arith.constant 2 : i32
        %add3A_249 = arith.addi %add3A_231, %add3A_248 : i32
        %dma_start3A_250 = arith.constant 0 : i32
        %dma_start3A_251 = arith.constant 0 : i32
        %dma_start3A_252 = arith.constant 1 : i32
        %dma_start3A_253 = arith.constant 0 : i32
        %dma_start3A_254 = arith.constant 0 : i32
        %dma_start3A_255 = tpu.memref_slice %arg6[%dma_start3A_252, %dma_start3A_253, %dma_start3A_254] : memref<2x128x128xf32, #tpu.memory_space<vmem>> -> memref<1x128x128xf32, #tpu.memory_space<vmem>>
        %dma_start3A_256 = tpu.memref_squeeze %dma_start3A_255 : memref<1x128x128xf32, #tpu.memory_space<vmem>> -> memref<128x128xf32, #tpu.memory_space<vmem>>
        %dma_start3A_257 = arith.constant 0 : i32
        %dma_start3A_258 = tpu.memref_slice %arg5[%dma_start3A_250, %add3A_249, %dma_start3A_251, %dma_start3A_257] : memref<2x8x2x128xi32, #tpu.memory_space<vmem>> -> memref<1x1x1x128xi32, #tpu.memory_space<vmem>>
        %dma_start3A_259 = tpu.memref_squeeze %dma_start3A_258 : memref<1x1x1x128xi32, #tpu.memory_space<vmem>> -> memref<128xi32, #tpu.memory_space<vmem>>
        %dma_start3A_260 = arith.constant 0 : i32
        %dma_start3A_261 = arith.constant 0 : i32
        %dma_start3A_262 = tpu.memref_slice %arg2[%dma_start3A_260, %dma_start3A_261] : memref<10000x128xf32, #tpu.memory_space<hbm>> -> memref<10000x128xf32, #tpu.memory_space<hbm>>
        tpu.enqueue_indirect_dma source(%dma_start3A_262 : memref<10000x128xf32, #tpu.memory_space<hbm>>) target(%dma_start3A_256 : memref<128x128xf32, #tpu.memory_space<vmem>>) offsets(%dma_start3A_259 : memref<128xi32, #tpu.memory_space<vmem>>) semaphore(%arg9 : memref<!tpu.dma_semaphore, #tpu.memory_space<semaphore_mem>>)
      }
      %scan3A_87 = arith.constant 3 : i32
      %dma_wait3A = arith.constant 0 : i32
      %dma_wait3A_88 = arith.constant 6 : i32
      %dma_wait3A_89 = arith.constant 0 : i32
      %dma_wait3A_90 = arith.constant 0 : i32
      %dma_wait3A_91 = arith.constant 0 : i32
      %dma_wait3A_92 = arith.constant 0 : i32
      %dma_wait3A_93 = tpu.memref_slice %arg6[%dma_wait3A_90, %dma_wait3A_91, %dma_wait3A_92] : memref<2x128x128xf32, #tpu.memory_space<vmem>> -> memref<1x128x128xf32, #tpu.memory_space<vmem>>
      %dma_wait3A_94 = tpu.memref_squeeze %dma_wait3A_93 : memref<1x128x128xf32, #tpu.memory_space<vmem>> -> memref<128x128xf32, #tpu.memory_space<vmem>>
      %dma_wait3A_95 = arith.constant 0 : i32
      %dma_wait3A_96 = tpu.memref_slice %arg5[%dma_wait3A, %dma_wait3A_88, %dma_wait3A_89, %dma_wait3A_95] : memref<2x8x2x128xi32, #tpu.memory_space<vmem>> -> memref<1x1x1x128xi32, #tpu.memory_space<vmem>>
      %dma_wait3A_97 = tpu.memref_squeeze %dma_wait3A_96 : memref<1x1x1x128xi32, #tpu.memory_space<vmem>> -> memref<128xi32, #tpu.memory_space<vmem>>
      %dma_wait3A_98 = arith.constant 0 : i32
      %dma_wait3A_99 = arith.constant 0 : i32
      %dma_wait3A_100 = tpu.memref_slice %arg2[%dma_wait3A_98, %dma_wait3A_99] : memref<10000x128xf32, #tpu.memory_space<hbm>> -> memref<10000x128xf32, #tpu.memory_space<hbm>>
      tpu.wait_indirect_dma semaphore(%arg8 : memref<!tpu.dma_semaphore, #tpu.memory_space<semaphore_mem>>) src(%dma_wait3A_100 : memref<10000x128xf32, #tpu.memory_space<hbm>>) dst(%dma_wait3A_94 : memref<128x128xf32, #tpu.memory_space<vmem>>)
      %run_scoped3A_101 = arith.constant 0 : i32
      %run_scoped3A_102 = arith.constant 0 : i32
      %run_scoped3A_103 = arith.constant 6 : i32
      %run_scoped3A_104 = arith.constant 1 : i32
      "tpu.region"() ({
        %run_scoped3A_194 = tpu.sem_alloc : memref<!tpu.dma_semaphore, #tpu.memory_space<semaphore_mem>>
        %dma_start3A_195 = arith.constant 0 : i32
        %dma_start3A_196 = arith.constant 0 : i32
        %dma_start3A_197 = tpu.memref_slice %arg6[%run_scoped3A_101, %dma_start3A_195, %dma_start3A_196] : memref<2x128x128xf32, #tpu.memory_space<vmem>> -> memref<1x128x128xf32, #tpu.memory_space<vmem>>
        %dma_start3A_198 = tpu.memref_squeeze %dma_start3A_197 : memref<1x128x128xf32, #tpu.memory_space<vmem>> -> memref<128x128xf32, #tpu.memory_space<vmem>>
        %dma_start3A_199 = arith.constant 0 : i32
        %dma_start3A_200 = tpu.memref_slice %arg5[%run_scoped3A_102, %run_scoped3A_103, %run_scoped3A_104, %dma_start3A_199] : memref<2x8x2x128xi32, #tpu.memory_space<vmem>> -> memref<1x1x1x128xi32, #tpu.memory_space<vmem>>
        %dma_start3A_201 = tpu.memref_squeeze %dma_start3A_200 : memref<1x1x1x128xi32, #tpu.memory_space<vmem>> -> memref<128xi32, #tpu.memory_space<vmem>>
        %dma_start3A_202 = arith.constant 0 : i32
        %dma_start3A_203 = arith.constant 0 : i32
        %dma_start3A_204 = tpu.memref_slice %arg7[%dma_start3A_202, %dma_start3A_203] : memref<10112x128xf32, #tpu.memory_space<vmem_shared>> -> memref<10112x128xf32, #tpu.memory_space<vmem_shared>>
        tpu.enqueue_indirect_dma source(%dma_start3A_198 : memref<128x128xf32, #tpu.memory_space<vmem>>) target(%dma_start3A_204 : memref<10112x128xf32, #tpu.memory_space<vmem_shared>>) offsets(%dma_start3A_201 : memref<128xi32, #tpu.memory_space<vmem>>) semaphore(%run_scoped3A_194 : memref<!tpu.dma_semaphore, #tpu.memory_space<semaphore_mem>>) {add = true}
        %dma_wait3A_205 = arith.constant 0 : i32
        %dma_wait3A_206 = arith.constant 0 : i32
        %dma_wait3A_207 = tpu.memref_slice %arg6[%run_scoped3A_101, %dma_wait3A_205, %dma_wait3A_206] : memref<2x128x128xf32, #tpu.memory_space<vmem>> -> memref<1x128x128xf32, #tpu.memory_space<vmem>>
        %dma_wait3A_208 = tpu.memref_squeeze %dma_wait3A_207 : memref<1x128x128xf32, #tpu.memory_space<vmem>> -> memref<128x128xf32, #tpu.memory_space<vmem>>
        %dma_wait3A_209 = arith.constant 0 : i32
        %dma_wait3A_210 = tpu.memref_slice %arg5[%run_scoped3A_102, %run_scoped3A_103, %run_scoped3A_104, %dma_wait3A_209] : memref<2x8x2x128xi32, #tpu.memory_space<vmem>> -> memref<1x1x1x128xi32, #tpu.memory_space<vmem>>
        %dma_wait3A_211 = tpu.memref_squeeze %dma_wait3A_210 : memref<1x1x1x128xi32, #tpu.memory_space<vmem>> -> memref<128xi32, #tpu.memory_space<vmem>>
        %dma_wait3A_212 = arith.constant 0 : i32
        %dma_wait3A_213 = arith.constant 0 : i32
        %dma_wait3A_214 = tpu.memref_slice %arg7[%dma_wait3A_212, %dma_wait3A_213] : memref<10112x128xf32, #tpu.memory_space<vmem_shared>> -> memref<10112x128xf32, #tpu.memory_space<vmem_shared>>
        tpu.wait_indirect_dma semaphore(%run_scoped3A_194 : memref<!tpu.dma_semaphore, #tpu.memory_space<semaphore_mem>>) src(%dma_wait3A_208 : memref<128x128xf32, #tpu.memory_space<vmem>>) dst(%dma_wait3A_214 : memref<10112x128xf32, #tpu.memory_space<vmem_shared>>)
        tpu.yield
      }) : () -> ()
      %dma_wait3A_105 = arith.constant 0 : i32
      %dma_wait3A_106 = arith.constant 7 : i32
      %dma_wait3A_107 = arith.constant 0 : i32
      %dma_wait3A_108 = arith.constant 1 : i32
      %dma_wait3A_109 = arith.constant 0 : i32
      %dma_wait3A_110 = arith.constant 0 : i32
      %dma_wait3A_111 = tpu.memref_slice %arg6[%dma_wait3A_108, %dma_wait3A_109, %dma_wait3A_110] : memref<2x128x128xf32, #tpu.memory_space<vmem>> -> memref<1x128x128xf32, #tpu.memory_space<vmem>>
      %dma_wait3A_112 = tpu.memref_squeeze %dma_wait3A_111 : memref<1x128x128xf32, #tpu.memory_space<vmem>> -> memref<128x128xf32, #tpu.memory_space<vmem>>
      %dma_wait3A_113 = arith.constant 0 : i32
      %dma_wait3A_114 = tpu.memref_slice %arg5[%dma_wait3A_105, %dma_wait3A_106, %dma_wait3A_107, %dma_wait3A_113] : memref<2x8x2x128xi32, #tpu.memory_space<vmem>> -> memref<1x1x1x128xi32, #tpu.memory_space<vmem>>
      %dma_wait3A_115 = tpu.memref_squeeze %dma_wait3A_114 : memref<1x1x1x128xi32, #tpu.memory_space<vmem>> -> memref<128xi32, #tpu.memory_space<vmem>>
      %dma_wait3A_116 = arith.constant 0 : i32
      %dma_wait3A_117 = arith.constant 0 : i32
      %dma_wait3A_118 = tpu.memref_slice %arg2[%dma_wait3A_116, %dma_wait3A_117] : memref<10000x128xf32, #tpu.memory_space<hbm>> -> memref<10000x128xf32, #tpu.memory_space<hbm>>
      tpu.wait_indirect_dma semaphore(%arg9 : memref<!tpu.dma_semaphore, #tpu.memory_space<semaphore_mem>>) src(%dma_wait3A_118 : memref<10000x128xf32, #tpu.memory_space<hbm>>) dst(%dma_wait3A_112 : memref<128x128xf32, #tpu.memory_space<vmem>>)
      %run_scoped3A_119 = arith.constant 1 : i32
      %run_scoped3A_120 = arith.constant 0 : i32
      %run_scoped3A_121 = arith.constant 7 : i32
      %run_scoped3A_122 = arith.constant 1 : i32
      "tpu.region"() ({
        %run_scoped3A_194 = tpu.sem_alloc : memref<!tpu.dma_semaphore, #tpu.memory_space<semaphore_mem>>
        %dma_start3A_195 = arith.constant 0 : i32
        %dma_start3A_196 = arith.constant 0 : i32
        %dma_start3A_197 = tpu.memref_slice %arg6[%run_scoped3A_119, %dma_start3A_195, %dma_start3A_196] : memref<2x128x128xf32, #tpu.memory_space<vmem>> -> memref<1x128x128xf32, #tpu.memory_space<vmem>>
        %dma_start3A_198 = tpu.memref_squeeze %dma_start3A_197 : memref<1x128x128xf32, #tpu.memory_space<vmem>> -> memref<128x128xf32, #tpu.memory_space<vmem>>
        %dma_start3A_199 = arith.constant 0 : i32
        %dma_start3A_200 = tpu.memref_slice %arg5[%run_scoped3A_120, %run_scoped3A_121, %run_scoped3A_122, %dma_start3A_199] : memref<2x8x2x128xi32, #tpu.memory_space<vmem>> -> memref<1x1x1x128xi32, #tpu.memory_space<vmem>>
        %dma_start3A_201 = tpu.memref_squeeze %dma_start3A_200 : memref<1x1x1x128xi32, #tpu.memory_space<vmem>> -> memref<128xi32, #tpu.memory_space<vmem>>
        %dma_start3A_202 = arith.constant 0 : i32
        %dma_start3A_203 = arith.constant 0 : i32
        %dma_start3A_204 = tpu.memref_slice %arg7[%dma_start3A_202, %dma_start3A_203] : memref<10112x128xf32, #tpu.memory_space<vmem_shared>> -> memref<10112x128xf32, #tpu.memory_space<vmem_shared>>
        tpu.enqueue_indirect_dma source(%dma_start3A_198 : memref<128x128xf32, #tpu.memory_space<vmem>>) target(%dma_start3A_204 : memref<10112x128xf32, #tpu.memory_space<vmem_shared>>) offsets(%dma_start3A_201 : memref<128xi32, #tpu.memory_space<vmem>>) semaphore(%run_scoped3A_194 : memref<!tpu.dma_semaphore, #tpu.memory_space<semaphore_mem>>) {add = true}
        %dma_wait3A_205 = arith.constant 0 : i32
        %dma_wait3A_206 = arith.constant 0 : i32
        %dma_wait3A_207 = tpu.memref_slice %arg6[%run_scoped3A_119, %dma_wait3A_205, %dma_wait3A_206] : memref<2x128x128xf32, #tpu.memory_space<vmem>> -> memref<1x128x128xf32, #tpu.memory_space<vmem>>
        %dma_wait3A_208 = tpu.memref_squeeze %dma_wait3A_207 : memref<1x128x128xf32, #tpu.memory_space<vmem>> -> memref<128x128xf32, #tpu.memory_space<vmem>>
        %dma_wait3A_209 = arith.constant 0 : i32
        %dma_wait3A_210 = tpu.memref_slice %arg5[%run_scoped3A_120, %run_scoped3A_121, %run_scoped3A_122, %dma_wait3A_209] : memref<2x8x2x128xi32, #tpu.memory_space<vmem>> -> memref<1x1x1x128xi32, #tpu.memory_space<vmem>>
        %dma_wait3A_211 = tpu.memref_squeeze %dma_wait3A_210 : memref<1x1x1x128xi32, #tpu.memory_space<vmem>> -> memref<128xi32, #tpu.memory_space<vmem>>
        %dma_wait3A_212 = arith.constant 0 : i32
        %dma_wait3A_213 = arith.constant 0 : i32
        %dma_wait3A_214 = tpu.memref_slice %arg7[%dma_wait3A_212, %dma_wait3A_213] : memref<10112x128xf32, #tpu.memory_space<vmem_shared>> -> memref<10112x128xf32, #tpu.memory_space<vmem_shared>>
        tpu.wait_indirect_dma semaphore(%run_scoped3A_194 : memref<!tpu.dma_semaphore, #tpu.memory_space<semaphore_mem>>) src(%dma_wait3A_208 : memref<128x128xf32, #tpu.memory_space<vmem>>) dst(%dma_wait3A_214 : memref<10112x128xf32, #tpu.memory_space<vmem_shared>>)
        tpu.yield
      }) : () -> ()
      %add3A_123 = arith.constant 1 : i32
      %add3A_124 = arith.addi %mul3A_81, %add3A_123 : i32
      %lt3A = arith.constant 10 : i32
      %lt3A_125 = arith.cmpi slt, %add3A_124, %lt3A : i32
      %convert_element_type3A = arith.extui %lt3A_125 : i1 to i32
      %cond3A = arith.constant 0 : i32
      %cond3A_126 = arith.cmpi ne, %convert_element_type3A, %cond3A : i32
      scf.if %cond3A_126 {
        %add3A_194 = arith.constant 1 : i32
        %add3A_195 = arith.addi %mul3A_81, %add3A_194 : i32
        %mul3A_196 = arith.constant 8 : i32
        %mul3A_197 = arith.muli %add3A_195, %mul3A_196 : i32
        %dma_wait3A_198 = arith.constant 1 : i32
        %dma_wait3A_199 = arith.constant 0 : i32
        %dma_wait3A_200 = arith.constant 0 : i32
        %dma_wait3A_201 = arith.constant 0 : i32
        %dma_wait3A_202 = tpu.memref_slice %arg5[%dma_wait3A_198, %dma_wait3A_199, %dma_wait3A_200, %dma_wait3A_201] : memref<2x8x2x128xi32, #tpu.memory_space<vmem>> -> memref<1x8x2x128xi32, #tpu.memory_space<vmem>>
        %dma_wait3A_203 = tpu.memref_squeeze %dma_wait3A_202 : memref<1x8x2x128xi32, #tpu.memory_space<vmem>> -> memref<8x2x128xi32, #tpu.memory_space<vmem>>
        %dma_wait3A_204 = arith.constant 0 : i32
        %dma_wait3A_205 = arith.constant 0 : i32
        %dma_wait3A_206 = tpu.memref_slice %arg3[%add3A, %mul3A_197, %dma_wait3A_204, %dma_wait3A_205] : memref<32x80x2x128xi32, #tpu.memory_space<hbm>> -> memref<1x8x2x128xi32, #tpu.memory_space<hbm>>
        %dma_wait3A_207 = tpu.memref_squeeze %dma_wait3A_206 : memref<1x8x2x128xi32, #tpu.memory_space<hbm>> -> memref<8x2x128xi32, #tpu.memory_space<hbm>>
        %dma_wait3A_208 = arith.constant 0 : i32
        %dma_wait3A_209 = arith.constant 0 : i32
        %dma_wait3A_210 = arith.constant 0 : i32
        %dma_wait3A_211 = tpu.memref_slice %arg5[%dma_wait3A_198, %dma_wait3A_208, %dma_wait3A_209, %dma_wait3A_210] : memref<2x8x2x128xi32, #tpu.memory_space<vmem>> -> memref<1x8x2x128xi32, #tpu.memory_space<vmem>>
        %dma_wait3A_212 = tpu.memref_squeeze %dma_wait3A_211 : memref<1x8x2x128xi32, #tpu.memory_space<vmem>> -> memref<8x2x128xi32, #tpu.memory_space<vmem>>
        %dma_wait3A_213 = arith.constant 0 : i32
        %dma_wait3A_214 = arith.constant 0 : i32
        %dma_wait3A_215 = tpu.memref_slice %arg3[%add3A, %mul3A_197, %dma_wait3A_213, %dma_wait3A_214] : memref<32x80x2x128xi32, #tpu.memory_space<hbm>> -> memref<1x8x2x128xi32, #tpu.memory_space<hbm>>
        %dma_wait3A_216 = tpu.memref_squeeze %dma_wait3A_215 : memref<1x8x2x128xi32, #tpu.memory_space<hbm>> -> memref<8x2x128xi32, #tpu.memory_space<hbm>>
        tpu.wait_dma2 semaphore(%arg11 : memref<!tpu.dma_semaphore, #tpu.memory_space<semaphore_mem>>) src(%dma_wait3A_216 : memref<8x2x128xi32, #tpu.memory_space<hbm>>) dst(%dma_wait3A_212 : memref<8x2x128xi32, #tpu.memory_space<vmem>>)
        %dma_start3A_217 = arith.constant 1 : i32
        %dma_start3A_218 = arith.constant 0 : i32
        %dma_start3A_219 = arith.constant 0 : i32
        %dma_start3A_220 = arith.constant 0 : i32
        %dma_start3A_221 = arith.constant 0 : i32
        %dma_start3A_222 = arith.constant 0 : i32
        %dma_start3A_223 = tpu.memref_slice %arg6[%dma_start3A_220, %dma_start3A_221, %dma_start3A_222] : memref<2x128x128xf32, #tpu.memory_space<vmem>> -> memref<1x128x128xf32, #tpu.memory_space<vmem>>
        %dma_start3A_224 = tpu.memref_squeeze %dma_start3A_223 : memref<1x128x128xf32, #tpu.memory_space<vmem>> -> memref<128x128xf32, #tpu.memory_space<vmem>>
        %dma_start3A_225 = arith.constant 0 : i32
        %dma_start3A_226 = tpu.memref_slice %arg5[%dma_start3A_217, %dma_start3A_218, %dma_start3A_219, %dma_start3A_225] : memref<2x8x2x128xi32, #tpu.memory_space<vmem>> -> memref<1x1x1x128xi32, #tpu.memory_space<vmem>>
        %dma_start3A_227 = tpu.memref_squeeze %dma_start3A_226 : memref<1x1x1x128xi32, #tpu.memory_space<vmem>> -> memref<128xi32, #tpu.memory_space<vmem>>
        %dma_start3A_228 = arith.constant 0 : i32
        %dma_start3A_229 = arith.constant 0 : i32
        %dma_start3A_230 = tpu.memref_slice %arg2[%dma_start3A_228, %dma_start3A_229] : memref<10000x128xf32, #tpu.memory_space<hbm>> -> memref<10000x128xf32, #tpu.memory_space<hbm>>
        tpu.enqueue_indirect_dma source(%dma_start3A_230 : memref<10000x128xf32, #tpu.memory_space<hbm>>) target(%dma_start3A_224 : memref<128x128xf32, #tpu.memory_space<vmem>>) offsets(%dma_start3A_227 : memref<128xi32, #tpu.memory_space<vmem>>) semaphore(%arg8 : memref<!tpu.dma_semaphore, #tpu.memory_space<semaphore_mem>>)
        %dma_start3A_231 = arith.constant 1 : i32
        %dma_start3A_232 = arith.constant 1 : i32
        %dma_start3A_233 = arith.constant 0 : i32
        %dma_start3A_234 = arith.constant 1 : i32
        %dma_start3A_235 = arith.constant 0 : i32
        %dma_start3A_236 = arith.constant 0 : i32
        %dma_start3A_237 = tpu.memref_slice %arg6[%dma_start3A_234, %dma_start3A_235, %dma_start3A_236] : memref<2x128x128xf32, #tpu.memory_space<vmem>> -> memref<1x128x128xf32, #tpu.memory_space<vmem>>
        %dma_start3A_238 = tpu.memref_squeeze %dma_start3A_237 : memref<1x128x128xf32, #tpu.memory_space<vmem>> -> memref<128x128xf32, #tpu.memory_space<vmem>>
        %dma_start3A_239 = arith.constant 0 : i32
        %dma_start3A_240 = tpu.memref_slice %arg5[%dma_start3A_231, %dma_start3A_232, %dma_start3A_233, %dma_start3A_239] : memref<2x8x2x128xi32, #tpu.memory_space<vmem>> -> memref<1x1x1x128xi32, #tpu.memory_space<vmem>>
        %dma_start3A_241 = tpu.memref_squeeze %dma_start3A_240 : memref<1x1x1x128xi32, #tpu.memory_space<vmem>> -> memref<128xi32, #tpu.memory_space<vmem>>
        %dma_start3A_242 = arith.constant 0 : i32
        %dma_start3A_243 = arith.constant 0 : i32
        %dma_start3A_244 = tpu.memref_slice %arg2[%dma_start3A_242, %dma_start3A_243] : memref<10000x128xf32, #tpu.memory_space<hbm>> -> memref<10000x128xf32, #tpu.memory_space<hbm>>
        tpu.enqueue_indirect_dma source(%dma_start3A_244 : memref<10000x128xf32, #tpu.memory_space<hbm>>) target(%dma_start3A_238 : memref<128x128xf32, #tpu.memory_space<vmem>>) offsets(%dma_start3A_241 : memref<128xi32, #tpu.memory_space<vmem>>) semaphore(%arg9 : memref<!tpu.dma_semaphore, #tpu.memory_space<semaphore_mem>>)
      } else {
      }
      %add3A_127 = arith.constant 2 : i32
      %add3A_128 = arith.addi %mul3A_81, %add3A_127 : i32
      %lt3A_129 = arith.constant 10 : i32
      %lt3A_130 = arith.cmpi slt, %add3A_128, %lt3A_129 : i32
      %convert_element_type3A_131 = arith.extui %lt3A_130 : i1 to i32
      %cond3A_132 = arith.constant 0 : i32
      %cond3A_133 = arith.cmpi ne, %convert_element_type3A_131, %cond3A_132 : i32
      scf.if %cond3A_133 {
        %add3A_194 = arith.constant 2 : i32
        %add3A_195 = arith.addi %mul3A_81, %add3A_194 : i32
        %mul3A_196 = arith.constant 8 : i32
        %mul3A_197 = arith.muli %add3A_195, %mul3A_196 : i32
        %dma_start3A_198 = arith.constant 0 : i32
        %dma_start3A_199 = arith.constant 0 : i32
        %dma_start3A_200 = arith.constant 0 : i32
        %dma_start3A_201 = arith.constant 0 : i32
        %dma_start3A_202 = tpu.memref_slice %arg5[%dma_start3A_198, %dma_start3A_199, %dma_start3A_200, %dma_start3A_201] : memref<2x8x2x128xi32, #tpu.memory_space<vmem>> -> memref<1x8x2x128xi32, #tpu.memory_space<vmem>>
        %dma_start3A_203 = tpu.memref_squeeze %dma_start3A_202 : memref<1x8x2x128xi32, #tpu.memory_space<vmem>> -> memref<8x2x128xi32, #tpu.memory_space<vmem>>
        %dma_start3A_204 = arith.constant 0 : i32
        %dma_start3A_205 = arith.constant 0 : i32
        %dma_start3A_206 = tpu.memref_slice %arg3[%add3A, %mul3A_197, %dma_start3A_204, %dma_start3A_205] : memref<32x80x2x128xi32, #tpu.memory_space<hbm>> -> memref<1x8x2x128xi32, #tpu.memory_space<hbm>>
        %dma_start3A_207 = tpu.memref_squeeze %dma_start3A_206 : memref<1x8x2x128xi32, #tpu.memory_space<hbm>> -> memref<8x2x128xi32, #tpu.memory_space<hbm>>
        %dma_start3A_208 = arith.constant 0 : i32
        %dma_start3A_209 = arith.constant 0 : i32
        %dma_start3A_210 = arith.constant 0 : i32
        %dma_start3A_211 = tpu.memref_slice %arg5[%dma_start3A_198, %dma_start3A_208, %dma_start3A_209, %dma_start3A_210] : memref<2x8x2x128xi32, #tpu.memory_space<vmem>> -> memref<1x8x2x128xi32, #tpu.memory_space<vmem>>
        %dma_start3A_212 = tpu.memref_squeeze %dma_start3A_211 : memref<1x8x2x128xi32, #tpu.memory_space<vmem>> -> memref<8x2x128xi32, #tpu.memory_space<vmem>>
        %dma_start3A_213 = arith.constant 0 : i32
        %dma_start3A_214 = arith.constant 0 : i32
        %dma_start3A_215 = tpu.memref_slice %arg3[%add3A, %mul3A_197, %dma_start3A_213, %dma_start3A_214] : memref<32x80x2x128xi32, #tpu.memory_space<hbm>> -> memref<1x8x2x128xi32, #tpu.memory_space<hbm>>
        %dma_start3A_216 = tpu.memref_squeeze %dma_start3A_215 : memref<1x8x2x128xi32, #tpu.memory_space<hbm>> -> memref<8x2x128xi32, #tpu.memory_space<hbm>>
        tpu.enqueue_dma source(%dma_start3A_216 : memref<8x2x128xi32, #tpu.memory_space<hbm>>) target(%dma_start3A_212 : memref<8x2x128xi32, #tpu.memory_space<vmem>>) target_semaphore(%arg10 : memref<!tpu.dma_semaphore, #tpu.memory_space<semaphore_mem>>)
      } else {
      }
      %mul3A_134 = arith.constant 2 : i32
      %mul3A_135 = arith.muli %scan3A_79, %mul3A_134 : i32
      %add3A_136 = arith.constant 1 : i32
      %add3A_137 = arith.addi %mul3A_135, %add3A_136 : i32
      %scan3A_138 = arith.constant 0 : i32
      %scan3A_139 = arith.constant 0 : i32
      %scan3A_140 = arith.constant 3 : i32
      %scan3A_141 = arith.addi %scan3A_139, %scan3A_140 : i32
      %scan3A_142 = arith.constant 1 : i32
      scf.for %scan3A_194 = %scan3A_139 to %scan3A_141 step %scan3A_142  : i32 {
        %mul3A_195 = arith.constant 2 : i32
        %mul3A_196 = arith.muli %scan3A_194, %mul3A_195 : i32
        %dma_wait3A_197 = arith.constant 1 : i32
        %dma_wait3A_198 = arith.constant 0 : i32
        %dma_wait3A_199 = arith.constant 0 : i32
        %dma_wait3A_200 = arith.constant 0 : i32
        %dma_wait3A_201 = arith.constant 0 : i32
        %dma_wait3A_202 = tpu.memref_slice %arg6[%dma_wait3A_199, %dma_wait3A_200, %dma_wait3A_201] : memref<2x128x128xf32, #tpu.memory_space<vmem>> -> memref<1x128x128xf32, #tpu.memory_space<vmem>>
        %dma_wait3A_203 = tpu.memref_squeeze %dma_wait3A_202 : memref<1x128x128xf32, #tpu.memory_space<vmem>> -> memref<128x128xf32, #tpu.memory_space<vmem>>
        %dma_wait3A_204 = arith.constant 0 : i32
        %dma_wait3A_205 = tpu.memref_slice %arg5[%dma_wait3A_197, %mul3A_196, %dma_wait3A_198, %dma_wait3A_204] : memref<2x8x2x128xi32, #tpu.memory_space<vmem>> -> memref<1x1x1x128xi32, #tpu.memory_space<vmem>>
        %dma_wait3A_206 = tpu.memref_squeeze %dma_wait3A_205 : memref<1x1x1x128xi32, #tpu.memory_space<vmem>> -> memref<128xi32, #tpu.memory_space<vmem>>
        %dma_wait3A_207 = arith.constant 0 : i32
        %dma_wait3A_208 = arith.constant 0 : i32
        %dma_wait3A_209 = tpu.memref_slice %arg2[%dma_wait3A_207, %dma_wait3A_208] : memref<10000x128xf32, #tpu.memory_space<hbm>> -> memref<10000x128xf32, #tpu.memory_space<hbm>>
        tpu.wait_indirect_dma semaphore(%arg8 : memref<!tpu.dma_semaphore, #tpu.memory_space<semaphore_mem>>) src(%dma_wait3A_209 : memref<10000x128xf32, #tpu.memory_space<hbm>>) dst(%dma_wait3A_203 : memref<128x128xf32, #tpu.memory_space<vmem>>)
        %run_scoped3A_210 = arith.constant 0 : i32
        %run_scoped3A_211 = arith.constant 1 : i32
        %run_scoped3A_212 = arith.constant 1 : i32
        "tpu.region"() ({
          %run_scoped3A_263 = tpu.sem_alloc : memref<!tpu.dma_semaphore, #tpu.memory_space<semaphore_mem>>
          %dma_start3A_264 = arith.constant 0 : i32
          %dma_start3A_265 = arith.constant 0 : i32
          %dma_start3A_266 = tpu.memref_slice %arg6[%run_scoped3A_210, %dma_start3A_264, %dma_start3A_265] : memref<2x128x128xf32, #tpu.memory_space<vmem>> -> memref<1x128x128xf32, #tpu.memory_space<vmem>>
          %dma_start3A_267 = tpu.memref_squeeze %dma_start3A_266 : memref<1x128x128xf32, #tpu.memory_space<vmem>> -> memref<128x128xf32, #tpu.memory_space<vmem>>
          %dma_start3A_268 = arith.constant 0 : i32
          %dma_start3A_269 = tpu.memref_slice %arg5[%run_scoped3A_211, %mul3A_196, %run_scoped3A_212, %dma_start3A_268] : memref<2x8x2x128xi32, #tpu.memory_space<vmem>> -> memref<1x1x1x128xi32, #tpu.memory_space<vmem>>
          %dma_start3A_270 = tpu.memref_squeeze %dma_start3A_269 : memref<1x1x1x128xi32, #tpu.memory_space<vmem>> -> memref<128xi32, #tpu.memory_space<vmem>>
          %dma_start3A_271 = arith.constant 0 : i32
          %dma_start3A_272 = arith.constant 0 : i32
          %dma_start3A_273 = tpu.memref_slice %arg7[%dma_start3A_271, %dma_start3A_272] : memref<10112x128xf32, #tpu.memory_space<vmem_shared>> -> memref<10112x128xf32, #tpu.memory_space<vmem_shared>>
          tpu.enqueue_indirect_dma source(%dma_start3A_267 : memref<128x128xf32, #tpu.memory_space<vmem>>) target(%dma_start3A_273 : memref<10112x128xf32, #tpu.memory_space<vmem_shared>>) offsets(%dma_start3A_270 : memref<128xi32, #tpu.memory_space<vmem>>) semaphore(%run_scoped3A_263 : memref<!tpu.dma_semaphore, #tpu.memory_space<semaphore_mem>>) {add = true}
          %dma_wait3A_274 = arith.constant 0 : i32
          %dma_wait3A_275 = arith.constant 0 : i32
          %dma_wait3A_276 = tpu.memref_slice %arg6[%run_scoped3A_210, %dma_wait3A_274, %dma_wait3A_275] : memref<2x128x128xf32, #tpu.memory_space<vmem>> -> memref<1x128x128xf32, #tpu.memory_space<vmem>>
          %dma_wait3A_277 = tpu.memref_squeeze %dma_wait3A_276 : memref<1x128x128xf32, #tpu.memory_space<vmem>> -> memref<128x128xf32, #tpu.memory_space<vmem>>
          %dma_wait3A_278 = arith.constant 0 : i32
          %dma_wait3A_279 = tpu.memref_slice %arg5[%run_scoped3A_211, %mul3A_196, %run_scoped3A_212, %dma_wait3A_278] : memref<2x8x2x128xi32, #tpu.memory_space<vmem>> -> memref<1x1x1x128xi32, #tpu.memory_space<vmem>>
          %dma_wait3A_280 = tpu.memref_squeeze %dma_wait3A_279 : memref<1x1x1x128xi32, #tpu.memory_space<vmem>> -> memref<128xi32, #tpu.memory_space<vmem>>
          %dma_wait3A_281 = arith.constant 0 : i32
          %dma_wait3A_282 = arith.constant 0 : i32
          %dma_wait3A_283 = tpu.memref_slice %arg7[%dma_wait3A_281, %dma_wait3A_282] : memref<10112x128xf32, #tpu.memory_space<vmem_shared>> -> memref<10112x128xf32, #tpu.memory_space<vmem_shared>>
          tpu.wait_indirect_dma semaphore(%run_scoped3A_263 : memref<!tpu.dma_semaphore, #tpu.memory_space<semaphore_mem>>) src(%dma_wait3A_277 : memref<128x128xf32, #tpu.memory_space<vmem>>) dst(%dma_wait3A_283 : memref<10112x128xf32, #tpu.memory_space<vmem_shared>>)
          tpu.yield
        }) : () -> ()
        %add3A_213 = arith.constant 2 : i32
        %add3A_214 = arith.addi %mul3A_196, %add3A_213 : i32
        %dma_start3A_215 = arith.constant 1 : i32
        %dma_start3A_216 = arith.constant 0 : i32
        %dma_start3A_217 = arith.constant 0 : i32
        %dma_start3A_218 = arith.constant 0 : i32
        %dma_start3A_219 = arith.constant 0 : i32
        %dma_start3A_220 = tpu.memref_slice %arg6[%dma_start3A_217, %dma_start3A_218, %dma_start3A_219] : memref<2x128x128xf32, #tpu.memory_space<vmem>> -> memref<1x128x128xf32, #tpu.memory_space<vmem>>
        %dma_start3A_221 = tpu.memref_squeeze %dma_start3A_220 : memref<1x128x128xf32, #tpu.memory_space<vmem>> -> memref<128x128xf32, #tpu.memory_space<vmem>>
        %dma_start3A_222 = arith.constant 0 : i32
        %dma_start3A_223 = tpu.memref_slice %arg5[%dma_start3A_215, %add3A_214, %dma_start3A_216, %dma_start3A_222] : memref<2x8x2x128xi32, #tpu.memory_space<vmem>> -> memref<1x1x1x128xi32, #tpu.memory_space<vmem>>
        %dma_start3A_224 = tpu.memref_squeeze %dma_start3A_223 : memref<1x1x1x128xi32, #tpu.memory_space<vmem>> -> memref<128xi32, #tpu.memory_space<vmem>>
        %dma_start3A_225 = arith.constant 0 : i32
        %dma_start3A_226 = arith.constant 0 : i32
        %dma_start3A_227 = tpu.memref_slice %arg2[%dma_start3A_225, %dma_start3A_226] : memref<10000x128xf32, #tpu.memory_space<hbm>> -> memref<10000x128xf32, #tpu.memory_space<hbm>>
        tpu.enqueue_indirect_dma source(%dma_start3A_227 : memref<10000x128xf32, #tpu.memory_space<hbm>>) target(%dma_start3A_221 : memref<128x128xf32, #tpu.memory_space<vmem>>) offsets(%dma_start3A_224 : memref<128xi32, #tpu.memory_space<vmem>>) semaphore(%arg8 : memref<!tpu.dma_semaphore, #tpu.memory_space<semaphore_mem>>)
        %mul3A_228 = arith.constant 2 : i32
        %mul3A_229 = arith.muli %scan3A_194, %mul3A_228 : i32
        %add3A_230 = arith.constant 1 : i32
        %add3A_231 = arith.addi %mul3A_229, %add3A_230 : i32
        %dma_wait3A_232 = arith.constant 1 : i32
        %dma_wait3A_233 = arith.constant 0 : i32
        %dma_wait3A_234 = arith.constant 1 : i32
        %dma_wait3A_235 = arith.constant 0 : i32
        %dma_wait3A_236 = arith.constant 0 : i32
        %dma_wait3A_237 = tpu.memref_slice %arg6[%dma_wait3A_234, %dma_wait3A_235, %dma_wait3A_236] : memref<2x128x128xf32, #tpu.memory_space<vmem>> -> memref<1x128x128xf32, #tpu.memory_space<vmem>>
        %dma_wait3A_238 = tpu.memref_squeeze %dma_wait3A_237 : memref<1x128x128xf32, #tpu.memory_space<vmem>> -> memref<128x128xf32, #tpu.memory_space<vmem>>
        %dma_wait3A_239 = arith.constant 0 : i32
        %dma_wait3A_240 = tpu.memref_slice %arg5[%dma_wait3A_232, %add3A_231, %dma_wait3A_233, %dma_wait3A_239] : memref<2x8x2x128xi32, #tpu.memory_space<vmem>> -> memref<1x1x1x128xi32, #tpu.memory_space<vmem>>
        %dma_wait3A_241 = tpu.memref_squeeze %dma_wait3A_240 : memref<1x1x1x128xi32, #tpu.memory_space<vmem>> -> memref<128xi32, #tpu.memory_space<vmem>>
        %dma_wait3A_242 = arith.constant 0 : i32
        %dma_wait3A_243 = arith.constant 0 : i32
        %dma_wait3A_244 = tpu.memref_slice %arg2[%dma_wait3A_242, %dma_wait3A_243] : memref<10000x128xf32, #tpu.memory_space<hbm>> -> memref<10000x128xf32, #tpu.memory_space<hbm>>
        tpu.wait_indirect_dma semaphore(%arg9 : memref<!tpu.dma_semaphore, #tpu.memory_space<semaphore_mem>>) src(%dma_wait3A_244 : memref<10000x128xf32, #tpu.memory_space<hbm>>) dst(%dma_wait3A_238 : memref<128x128xf32, #tpu.memory_space<vmem>>)
        %run_scoped3A_245 = arith.constant 1 : i32
        %run_scoped3A_246 = arith.constant 1 : i32
        %run_scoped3A_247 = arith.constant 1 : i32
        "tpu.region"() ({
          %run_scoped3A_263 = tpu.sem_alloc : memref<!tpu.dma_semaphore, #tpu.memory_space<semaphore_mem>>
          %dma_start3A_264 = arith.constant 0 : i32
          %dma_start3A_265 = arith.constant 0 : i32
          %dma_start3A_266 = tpu.memref_slice %arg6[%run_scoped3A_245, %dma_start3A_264, %dma_start3A_265] : memref<2x128x128xf32, #tpu.memory_space<vmem>> -> memref<1x128x128xf32, #tpu.memory_space<vmem>>
          %dma_start3A_267 = tpu.memref_squeeze %dma_start3A_266 : memref<1x128x128xf32, #tpu.memory_space<vmem>> -> memref<128x128xf32, #tpu.memory_space<vmem>>
          %dma_start3A_268 = arith.constant 0 : i32
          %dma_start3A_269 = tpu.memref_slice %arg5[%run_scoped3A_246, %add3A_231, %run_scoped3A_247, %dma_start3A_268] : memref<2x8x2x128xi32, #tpu.memory_space<vmem>> -> memref<1x1x1x128xi32, #tpu.memory_space<vmem>>
          %dma_start3A_270 = tpu.memref_squeeze %dma_start3A_269 : memref<1x1x1x128xi32, #tpu.memory_space<vmem>> -> memref<128xi32, #tpu.memory_space<vmem>>
          %dma_start3A_271 = arith.constant 0 : i32
          %dma_start3A_272 = arith.constant 0 : i32
          %dma_start3A_273 = tpu.memref_slice %arg7[%dma_start3A_271, %dma_start3A_272] : memref<10112x128xf32, #tpu.memory_space<vmem_shared>> -> memref<10112x128xf32, #tpu.memory_space<vmem_shared>>
          tpu.enqueue_indirect_dma source(%dma_start3A_267 : memref<128x128xf32, #tpu.memory_space<vmem>>) target(%dma_start3A_273 : memref<10112x128xf32, #tpu.memory_space<vmem_shared>>) offsets(%dma_start3A_270 : memref<128xi32, #tpu.memory_space<vmem>>) semaphore(%run_scoped3A_263 : memref<!tpu.dma_semaphore, #tpu.memory_space<semaphore_mem>>) {add = true}
          %dma_wait3A_274 = arith.constant 0 : i32
          %dma_wait3A_275 = arith.constant 0 : i32
          %dma_wait3A_276 = tpu.memref_slice %arg6[%run_scoped3A_245, %dma_wait3A_274, %dma_wait3A_275] : memref<2x128x128xf32, #tpu.memory_space<vmem>> -> memref<1x128x128xf32, #tpu.memory_space<vmem>>
          %dma_wait3A_277 = tpu.memref_squeeze %dma_wait3A_276 : memref<1x128x128xf32, #tpu.memory_space<vmem>> -> memref<128x128xf32, #tpu.memory_space<vmem>>
          %dma_wait3A_278 = arith.constant 0 : i32
          %dma_wait3A_279 = tpu.memref_slice %arg5[%run_scoped3A_246, %add3A_231, %run_scoped3A_247, %dma_wait3A_278] : memref<2x8x2x128xi32, #tpu.memory_space<vmem>> -> memref<1x1x1x128xi32, #tpu.memory_space<vmem>>
          %dma_wait3A_280 = tpu.memref_squeeze %dma_wait3A_279 : memref<1x1x1x128xi32, #tpu.memory_space<vmem>> -> memref<128xi32, #tpu.memory_space<vmem>>
          %dma_wait3A_281 = arith.constant 0 : i32
          %dma_wait3A_282 = arith.constant 0 : i32
          %dma_wait3A_283 = tpu.memref_slice %arg7[%dma_wait3A_281, %dma_wait3A_282] : memref<10112x128xf32, #tpu.memory_space<vmem_shared>> -> memref<10112x128xf32, #tpu.memory_space<vmem_shared>>
          tpu.wait_indirect_dma semaphore(%run_scoped3A_263 : memref<!tpu.dma_semaphore, #tpu.memory_space<semaphore_mem>>) src(%dma_wait3A_277 : memref<128x128xf32, #tpu.memory_space<vmem>>) dst(%dma_wait3A_283 : memref<10112x128xf32, #tpu.memory_space<vmem_shared>>)
          tpu.yield
        }) : () -> ()
        %add3A_248 = arith.constant 2 : i32
        %add3A_249 = arith.addi %add3A_231, %add3A_248 : i32
        %dma_start3A_250 = arith.constant 1 : i32
        %dma_start3A_251 = arith.constant 0 : i32
        %dma_start3A_252 = arith.constant 1 : i32
        %dma_start3A_253 = arith.constant 0 : i32
        %dma_start3A_254 = arith.constant 0 : i32
        %dma_start3A_255 = tpu.memref_slice %arg6[%dma_start3A_252, %dma_start3A_253, %dma_start3A_254] : memref<2x128x128xf32, #tpu.memory_space<vmem>> -> memref<1x128x128xf32, #tpu.memory_space<vmem>>
        %dma_start3A_256 = tpu.memref_squeeze %dma_start3A_255 : memref<1x128x128xf32, #tpu.memory_space<vmem>> -> memref<128x128xf32, #tpu.memory_space<vmem>>
        %dma_start3A_257 = arith.constant 0 : i32
        %dma_start3A_258 = tpu.memref_slice %arg5[%dma_start3A_250, %add3A_249, %dma_start3A_251, %dma_start3A_257] : memref<2x8x2x128xi32, #tpu.memory_space<vmem>> -> memref<1x1x1x128xi32, #tpu.memory_space<vmem>>
        %dma_start3A_259 = tpu.memref_squeeze %dma_start3A_258 : memref<1x1x1x128xi32, #tpu.memory_space<vmem>> -> memref<128xi32, #tpu.memory_space<vmem>>
        %dma_start3A_260 = arith.constant 0 : i32
        %dma_start3A_261 = arith.constant 0 : i32
        %dma_start3A_262 = tpu.memref_slice %arg2[%dma_start3A_260, %dma_start3A_261] : memref<10000x128xf32, #tpu.memory_space<hbm>> -> memref<10000x128xf32, #tpu.memory_space<hbm>>
        tpu.enqueue_indirect_dma source(%dma_start3A_262 : memref<10000x128xf32, #tpu.memory_space<hbm>>) target(%dma_start3A_256 : memref<128x128xf32, #tpu.memory_space<vmem>>) offsets(%dma_start3A_259 : memref<128xi32, #tpu.memory_space<vmem>>) semaphore(%arg9 : memref<!tpu.dma_semaphore, #tpu.memory_space<semaphore_mem>>)
      }
      %scan3A_143 = arith.constant 3 : i32
      %dma_wait3A_144 = arith.constant 1 : i32
      %dma_wait3A_145 = arith.constant 6 : i32
      %dma_wait3A_146 = arith.constant 0 : i32
      %dma_wait3A_147 = arith.constant 0 : i32
      %dma_wait3A_148 = arith.constant 0 : i32
      %dma_wait3A_149 = arith.constant 0 : i32
      %dma_wait3A_150 = tpu.memref_slice %arg6[%dma_wait3A_147, %dma_wait3A_148, %dma_wait3A_149] : memref<2x128x128xf32, #tpu.memory_space<vmem>> -> memref<1x128x128xf32, #tpu.memory_space<vmem>>
      %dma_wait3A_151 = tpu.memref_squeeze %dma_wait3A_150 : memref<1x128x128xf32, #tpu.memory_space<vmem>> -> memref<128x128xf32, #tpu.memory_space<vmem>>
      %dma_wait3A_152 = arith.constant 0 : i32
      %dma_wait3A_153 = tpu.memref_slice %arg5[%dma_wait3A_144, %dma_wait3A_145, %dma_wait3A_146, %dma_wait3A_152] : memref<2x8x2x128xi32, #tpu.memory_space<vmem>> -> memref<1x1x1x128xi32, #tpu.memory_space<vmem>>
      %dma_wait3A_154 = tpu.memref_squeeze %dma_wait3A_153 : memref<1x1x1x128xi32, #tpu.memory_space<vmem>> -> memref<128xi32, #tpu.memory_space<vmem>>
      %dma_wait3A_155 = arith.constant 0 : i32
      %dma_wait3A_156 = arith.constant 0 : i32
      %dma_wait3A_157 = tpu.memref_slice %arg2[%dma_wait3A_155, %dma_wait3A_156] : memref<10000x128xf32, #tpu.memory_space<hbm>> -> memref<10000x128xf32, #tpu.memory_space<hbm>>
      tpu.wait_indirect_dma semaphore(%arg8 : memref<!tpu.dma_semaphore, #tpu.memory_space<semaphore_mem>>) src(%dma_wait3A_157 : memref<10000x128xf32, #tpu.memory_space<hbm>>) dst(%dma_wait3A_151 : memref<128x128xf32, #tpu.memory_space<vmem>>)
      %run_scoped3A_158 = arith.constant 0 : i32
      %run_scoped3A_159 = arith.constant 1 : i32
      %run_scoped3A_160 = arith.constant 6 : i32
      %run_scoped3A_161 = arith.constant 1 : i32
      "tpu.region"() ({
        %run_scoped3A_194 = tpu.sem_alloc : memref<!tpu.dma_semaphore, #tpu.memory_space<semaphore_mem>>
        %dma_start3A_195 = arith.constant 0 : i32
        %dma_start3A_196 = arith.constant 0 : i32
        %dma_start3A_197 = tpu.memref_slice %arg6[%run_scoped3A_158, %dma_start3A_195, %dma_start3A_196] : memref<2x128x128xf32, #tpu.memory_space<vmem>> -> memref<1x128x128xf32, #tpu.memory_space<vmem>>
        %dma_start3A_198 = tpu.memref_squeeze %dma_start3A_197 : memref<1x128x128xf32, #tpu.memory_space<vmem>> -> memref<128x128xf32, #tpu.memory_space<vmem>>
        %dma_start3A_199 = arith.constant 0 : i32
        %dma_start3A_200 = tpu.memref_slice %arg5[%run_scoped3A_159, %run_scoped3A_160, %run_scoped3A_161, %dma_start3A_199] : memref<2x8x2x128xi32, #tpu.memory_space<vmem>> -> memref<1x1x1x128xi32, #tpu.memory_space<vmem>>
        %dma_start3A_201 = tpu.memref_squeeze %dma_start3A_200 : memref<1x1x1x128xi32, #tpu.memory_space<vmem>> -> memref<128xi32, #tpu.memory_space<vmem>>
        %dma_start3A_202 = arith.constant 0 : i32
        %dma_start3A_203 = arith.constant 0 : i32
        %dma_start3A_204 = tpu.memref_slice %arg7[%dma_start3A_202, %dma_start3A_203] : memref<10112x128xf32, #tpu.memory_space<vmem_shared>> -> memref<10112x128xf32, #tpu.memory_space<vmem_shared>>
        tpu.enqueue_indirect_dma source(%dma_start3A_198 : memref<128x128xf32, #tpu.memory_space<vmem>>) target(%dma_start3A_204 : memref<10112x128xf32, #tpu.memory_space<vmem_shared>>) offsets(%dma_start3A_201 : memref<128xi32, #tpu.memory_space<vmem>>) semaphore(%run_scoped3A_194 : memref<!tpu.dma_semaphore, #tpu.memory_space<semaphore_mem>>) {add = true}
        %dma_wait3A_205 = arith.constant 0 : i32
        %dma_wait3A_206 = arith.constant 0 : i32
        %dma_wait3A_207 = tpu.memref_slice %arg6[%run_scoped3A_158, %dma_wait3A_205, %dma_wait3A_206] : memref<2x128x128xf32, #tpu.memory_space<vmem>> -> memref<1x128x128xf32, #tpu.memory_space<vmem>>
        %dma_wait3A_208 = tpu.memref_squeeze %dma_wait3A_207 : memref<1x128x128xf32, #tpu.memory_space<vmem>> -> memref<128x128xf32, #tpu.memory_space<vmem>>
        %dma_wait3A_209 = arith.constant 0 : i32
        %dma_wait3A_210 = tpu.memref_slice %arg5[%run_scoped3A_159, %run_scoped3A_160, %run_scoped3A_161, %dma_wait3A_209] : memref<2x8x2x128xi32, #tpu.memory_space<vmem>> -> memref<1x1x1x128xi32, #tpu.memory_space<vmem>>
        %dma_wait3A_211 = tpu.memref_squeeze %dma_wait3A_210 : memref<1x1x1x128xi32, #tpu.memory_space<vmem>> -> memref<128xi32, #tpu.memory_space<vmem>>
        %dma_wait3A_212 = arith.constant 0 : i32
        %dma_wait3A_213 = arith.constant 0 : i32
        %dma_wait3A_214 = tpu.memref_slice %arg7[%dma_wait3A_212, %dma_wait3A_213] : memref<10112x128xf32, #tpu.memory_space<vmem_shared>> -> memref<10112x128xf32, #tpu.memory_space<vmem_shared>>
        tpu.wait_indirect_dma semaphore(%run_scoped3A_194 : memref<!tpu.dma_semaphore, #tpu.memory_space<semaphore_mem>>) src(%dma_wait3A_208 : memref<128x128xf32, #tpu.memory_space<vmem>>) dst(%dma_wait3A_214 : memref<10112x128xf32, #tpu.memory_space<vmem_shared>>)
        tpu.yield
      }) : () -> ()
      %dma_wait3A_162 = arith.constant 1 : i32
      %dma_wait3A_163 = arith.constant 7 : i32
      %dma_wait3A_164 = arith.constant 0 : i32
      %dma_wait3A_165 = arith.constant 1 : i32
      %dma_wait3A_166 = arith.constant 0 : i32
      %dma_wait3A_167 = arith.constant 0 : i32
      %dma_wait3A_168 = tpu.memref_slice %arg6[%dma_wait3A_165, %dma_wait3A_166, %dma_wait3A_167] : memref<2x128x128xf32, #tpu.memory_space<vmem>> -> memref<1x128x128xf32, #tpu.memory_space<vmem>>
      %dma_wait3A_169 = tpu.memref_squeeze %dma_wait3A_168 : memref<1x128x128xf32, #tpu.memory_space<vmem>> -> memref<128x128xf32, #tpu.memory_space<vmem>>
      %dma_wait3A_170 = arith.constant 0 : i32
      %dma_wait3A_171 = tpu.memref_slice %arg5[%dma_wait3A_162, %dma_wait3A_163, %dma_wait3A_164, %dma_wait3A_170] : memref<2x8x2x128xi32, #tpu.memory_space<vmem>> -> memref<1x1x1x128xi32, #tpu.memory_space<vmem>>
      %dma_wait3A_172 = tpu.memref_squeeze %dma_wait3A_171 : memref<1x1x1x128xi32, #tpu.memory_space<vmem>> -> memref<128xi32, #tpu.memory_space<vmem>>
      %dma_wait3A_173 = arith.constant 0 : i32
      %dma_wait3A_174 = arith.constant 0 : i32
      %dma_wait3A_175 = tpu.memref_slice %arg2[%dma_wait3A_173, %dma_wait3A_174] : memref<10000x128xf32, #tpu.memory_space<hbm>> -> memref<10000x128xf32, #tpu.memory_space<hbm>>
      tpu.wait_indirect_dma semaphore(%arg9 : memref<!tpu.dma_semaphore, #tpu.memory_space<semaphore_mem>>) src(%dma_wait3A_175 : memref<10000x128xf32, #tpu.memory_space<hbm>>) dst(%dma_wait3A_169 : memref<128x128xf32, #tpu.memory_space<vmem>>)
      %run_scoped3A_176 = arith.constant 1 : i32
      %run_scoped3A_177 = arith.constant 1 : i32
      %run_scoped3A_178 = arith.constant 7 : i32
      %run_scoped3A_179 = arith.constant 1 : i32
      "tpu.region"() ({
        %run_scoped3A_194 = tpu.sem_alloc : memref<!tpu.dma_semaphore, #tpu.memory_space<semaphore_mem>>
        %dma_start3A_195 = arith.constant 0 : i32
        %dma_start3A_196 = arith.constant 0 : i32
        %dma_start3A_197 = tpu.memref_slice %arg6[%run_scoped3A_176, %dma_start3A_195, %dma_start3A_196] : memref<2x128x128xf32, #tpu.memory_space<vmem>> -> memref<1x128x128xf32, #tpu.memory_space<vmem>>
        %dma_start3A_198 = tpu.memref_squeeze %dma_start3A_197 : memref<1x128x128xf32, #tpu.memory_space<vmem>> -> memref<128x128xf32, #tpu.memory_space<vmem>>
        %dma_start3A_199 = arith.constant 0 : i32
        %dma_start3A_200 = tpu.memref_slice %arg5[%run_scoped3A_177, %run_scoped3A_178, %run_scoped3A_179, %dma_start3A_199] : memref<2x8x2x128xi32, #tpu.memory_space<vmem>> -> memref<1x1x1x128xi32, #tpu.memory_space<vmem>>
        %dma_start3A_201 = tpu.memref_squeeze %dma_start3A_200 : memref<1x1x1x128xi32, #tpu.memory_space<vmem>> -> memref<128xi32, #tpu.memory_space<vmem>>
        %dma_start3A_202 = arith.constant 0 : i32
        %dma_start3A_203 = arith.constant 0 : i32
        %dma_start3A_204 = tpu.memref_slice %arg7[%dma_start3A_202, %dma_start3A_203] : memref<10112x128xf32, #tpu.memory_space<vmem_shared>> -> memref<10112x128xf32, #tpu.memory_space<vmem_shared>>
        tpu.enqueue_indirect_dma source(%dma_start3A_198 : memref<128x128xf32, #tpu.memory_space<vmem>>) target(%dma_start3A_204 : memref<10112x128xf32, #tpu.memory_space<vmem_shared>>) offsets(%dma_start3A_201 : memref<128xi32, #tpu.memory_space<vmem>>) semaphore(%run_scoped3A_194 : memref<!tpu.dma_semaphore, #tpu.memory_space<semaphore_mem>>) {add = true}
        %dma_wait3A_205 = arith.constant 0 : i32
        %dma_wait3A_206 = arith.constant 0 : i32
        %dma_wait3A_207 = tpu.memref_slice %arg6[%run_scoped3A_176, %dma_wait3A_205, %dma_wait3A_206] : memref<2x128x128xf32, #tpu.memory_space<vmem>> -> memref<1x128x128xf32, #tpu.memory_space<vmem>>
        %dma_wait3A_208 = tpu.memref_squeeze %dma_wait3A_207 : memref<1x128x128xf32, #tpu.memory_space<vmem>> -> memref<128x128xf32, #tpu.memory_space<vmem>>
        %dma_wait3A_209 = arith.constant 0 : i32
        %dma_wait3A_210 = tpu.memref_slice %arg5[%run_scoped3A_177, %run_scoped3A_178, %run_scoped3A_179, %dma_wait3A_209] : memref<2x8x2x128xi32, #tpu.memory_space<vmem>> -> memref<1x1x1x128xi32, #tpu.memory_space<vmem>>
        %dma_wait3A_211 = tpu.memref_squeeze %dma_wait3A_210 : memref<1x1x1x128xi32, #tpu.memory_space<vmem>> -> memref<128xi32, #tpu.memory_space<vmem>>
        %dma_wait3A_212 = arith.constant 0 : i32
        %dma_wait3A_213 = arith.constant 0 : i32
        %dma_wait3A_214 = tpu.memref_slice %arg7[%dma_wait3A_212, %dma_wait3A_213] : memref<10112x128xf32, #tpu.memory_space<vmem_shared>> -> memref<10112x128xf32, #tpu.memory_space<vmem_shared>>
        tpu.wait_indirect_dma semaphore(%run_scoped3A_194 : memref<!tpu.dma_semaphore, #tpu.memory_space<semaphore_mem>>) src(%dma_wait3A_208 : memref<128x128xf32, #tpu.memory_space<vmem>>) dst(%dma_wait3A_214 : memref<10112x128xf32, #tpu.memory_space<vmem_shared>>)
        tpu.yield
      }) : () -> ()
      %add3A_180 = arith.constant 1 : i32
      %add3A_181 = arith.addi %add3A_137, %add3A_180 : i32
      %lt3A_182 = arith.constant 10 : i32
      %lt3A_183 = arith.cmpi slt, %add3A_181, %lt3A_182 : i32
      %convert_element_type3A_184 = arith.extui %lt3A_183 : i1 to i32
      %cond3A_185 = arith.constant 0 : i32
      %cond3A_186 = arith.cmpi ne, %convert_element_type3A_184, %cond3A_185 : i32
      scf.if %cond3A_186 {
        %add3A_194 = arith.constant 1 : i32
        %add3A_195 = arith.addi %add3A_137, %add3A_194 : i32
        %mul3A_196 = arith.constant 8 : i32
        %mul3A_197 = arith.muli %add3A_195, %mul3A_196 : i32
        %dma_wait3A_198 = arith.constant 0 : i32
        %dma_wait3A_199 = arith.constant 0 : i32
        %dma_wait3A_200 = arith.constant 0 : i32
        %dma_wait3A_201 = arith.constant 0 : i32
        %dma_wait3A_202 = tpu.memref_slice %arg5[%dma_wait3A_198, %dma_wait3A_199, %dma_wait3A_200, %dma_wait3A_201] : memref<2x8x2x128xi32, #tpu.memory_space<vmem>> -> memref<1x8x2x128xi32, #tpu.memory_space<vmem>>
        %dma_wait3A_203 = tpu.memref_squeeze %dma_wait3A_202 : memref<1x8x2x128xi32, #tpu.memory_space<vmem>> -> memref<8x2x128xi32, #tpu.memory_space<vmem>>
        %dma_wait3A_204 = arith.constant 0 : i32
        %dma_wait3A_205 = arith.constant 0 : i32
        %dma_wait3A_206 = tpu.memref_slice %arg3[%add3A, %mul3A_197, %dma_wait3A_204, %dma_wait3A_205] : memref<32x80x2x128xi32, #tpu.memory_space<hbm>> -> memref<1x8x2x128xi32, #tpu.memory_space<hbm>>
        %dma_wait3A_207 = tpu.memref_squeeze %dma_wait3A_206 : memref<1x8x2x128xi32, #tpu.memory_space<hbm>> -> memref<8x2x128xi32, #tpu.memory_space<hbm>>
        %dma_wait3A_208 = arith.constant 0 : i32
        %dma_wait3A_209 = arith.constant 0 : i32
        %dma_wait3A_210 = arith.constant 0 : i32
        %dma_wait3A_211 = tpu.memref_slice %arg5[%dma_wait3A_198, %dma_wait3A_208, %dma_wait3A_209, %dma_wait3A_210] : memref<2x8x2x128xi32, #tpu.memory_space<vmem>> -> memref<1x8x2x128xi32, #tpu.memory_space<vmem>>
        %dma_wait3A_212 = tpu.memref_squeeze %dma_wait3A_211 : memref<1x8x2x128xi32, #tpu.memory_space<vmem>> -> memref<8x2x128xi32, #tpu.memory_space<vmem>>
        %dma_wait3A_213 = arith.constant 0 : i32
        %dma_wait3A_214 = arith.constant 0 : i32
        %dma_wait3A_215 = tpu.memref_slice %arg3[%add3A, %mul3A_197, %dma_wait3A_213, %dma_wait3A_214] : memref<32x80x2x128xi32, #tpu.memory_space<hbm>> -> memref<1x8x2x128xi32, #tpu.memory_space<hbm>>
        %dma_wait3A_216 = tpu.memref_squeeze %dma_wait3A_215 : memref<1x8x2x128xi32, #tpu.memory_space<hbm>> -> memref<8x2x128xi32, #tpu.memory_space<hbm>>
        tpu.wait_dma2 semaphore(%arg10 : memref<!tpu.dma_semaphore, #tpu.memory_space<semaphore_mem>>) src(%dma_wait3A_216 : memref<8x2x128xi32, #tpu.memory_space<hbm>>) dst(%dma_wait3A_212 : memref<8x2x128xi32, #tpu.memory_space<vmem>>)
        %dma_start3A_217 = arith.constant 0 : i32
        %dma_start3A_218 = arith.constant 0 : i32
        %dma_start3A_219 = arith.constant 0 : i32
        %dma_start3A_220 = arith.constant 0 : i32
        %dma_start3A_221 = arith.constant 0 : i32
        %dma_start3A_222 = arith.constant 0 : i32
        %dma_start3A_223 = tpu.memref_slice %arg6[%dma_start3A_220, %dma_start3A_221, %dma_start3A_222] : memref<2x128x128xf32, #tpu.memory_space<vmem>> -> memref<1x128x128xf32, #tpu.memory_space<vmem>>
        %dma_start3A_224 = tpu.memref_squeeze %dma_start3A_223 : memref<1x128x128xf32, #tpu.memory_space<vmem>> -> memref<128x128xf32, #tpu.memory_space<vmem>>
        %dma_start3A_225 = arith.constant 0 : i32
        %dma_start3A_226 = tpu.memref_slice %arg5[%dma_start3A_217, %dma_start3A_218, %dma_start3A_219, %dma_start3A_225] : memref<2x8x2x128xi32, #tpu.memory_space<vmem>> -> memref<1x1x1x128xi32, #tpu.memory_space<vmem>>
        %dma_start3A_227 = tpu.memref_squeeze %dma_start3A_226 : memref<1x1x1x128xi32, #tpu.memory_space<vmem>> -> memref<128xi32, #tpu.memory_space<vmem>>
        %dma_start3A_228 = arith.constant 0 : i32
        %dma_start3A_229 = arith.constant 0 : i32
        %dma_start3A_230 = tpu.memref_slice %arg2[%dma_start3A_228, %dma_start3A_229] : memref<10000x128xf32, #tpu.memory_space<hbm>> -> memref<10000x128xf32, #tpu.memory_space<hbm>>
        tpu.enqueue_indirect_dma source(%dma_start3A_230 : memref<10000x128xf32, #tpu.memory_space<hbm>>) target(%dma_start3A_224 : memref<128x128xf32, #tpu.memory_space<vmem>>) offsets(%dma_start3A_227 : memref<128xi32, #tpu.memory_space<vmem>>) semaphore(%arg8 : memref<!tpu.dma_semaphore, #tpu.memory_space<semaphore_mem>>)
        %dma_start3A_231 = arith.constant 0 : i32
        %dma_start3A_232 = arith.constant 1 : i32
        %dma_start3A_233 = arith.constant 0 : i32
        %dma_start3A_234 = arith.constant 1 : i32
        %dma_start3A_235 = arith.constant 0 : i32
        %dma_start3A_236 = arith.constant 0 : i32
        %dma_start3A_237 = tpu.memref_slice %arg6[%dma_start3A_234, %dma_start3A_235, %dma_start3A_236] : memref<2x128x128xf32, #tpu.memory_space<vmem>> -> memref<1x128x128xf32, #tpu.memory_space<vmem>>
        %dma_start3A_238 = tpu.memref_squeeze %dma_start3A_237 : memref<1x128x128xf32, #tpu.memory_space<vmem>> -> memref<128x128xf32, #tpu.memory_space<vmem>>
        %dma_start3A_239 = arith.constant 0 : i32
        %dma_start3A_240 = tpu.memref_slice %arg5[%dma_start3A_231, %dma_start3A_232, %dma_start3A_233, %dma_start3A_239] : memref<2x8x2x128xi32, #tpu.memory_space<vmem>> -> memref<1x1x1x128xi32, #tpu.memory_space<vmem>>
        %dma_start3A_241 = tpu.memref_squeeze %dma_start3A_240 : memref<1x1x1x128xi32, #tpu.memory_space<vmem>> -> memref<128xi32, #tpu.memory_space<vmem>>
        %dma_start3A_242 = arith.constant 0 : i32
        %dma_start3A_243 = arith.constant 0 : i32
        %dma_start3A_244 = tpu.memref_slice %arg2[%dma_start3A_242, %dma_start3A_243] : memref<10000x128xf32, #tpu.memory_space<hbm>> -> memref<10000x128xf32, #tpu.memory_space<hbm>>
        tpu.enqueue_indirect_dma source(%dma_start3A_244 : memref<10000x128xf32, #tpu.memory_space<hbm>>) target(%dma_start3A_238 : memref<128x128xf32, #tpu.memory_space<vmem>>) offsets(%dma_start3A_241 : memref<128xi32, #tpu.memory_space<vmem>>) semaphore(%arg9 : memref<!tpu.dma_semaphore, #tpu.memory_space<semaphore_mem>>)
      } else {
      }
      %add3A_187 = arith.constant 2 : i32
      %add3A_188 = arith.addi %add3A_137, %add3A_187 : i32
      %lt3A_189 = arith.constant 10 : i32
      %lt3A_190 = arith.cmpi slt, %add3A_188, %lt3A_189 : i32
      %convert_element_type3A_191 = arith.extui %lt3A_190 : i1 to i32
      %cond3A_192 = arith.constant 0 : i32
      %cond3A_193 = arith.cmpi ne, %convert_element_type3A_191, %cond3A_192 : i32
      scf.if %cond3A_193 {
        %add3A_194 = arith.constant 2 : i32
        %add3A_195 = arith.addi %add3A_137, %add3A_194 : i32
        %mul3A_196 = arith.constant 8 : i32
        %mul3A_197 = arith.muli %add3A_195, %mul3A_196 : i32
        %dma_start3A_198 = arith.constant 1 : i32
        %dma_start3A_199 = arith.constant 0 : i32
        %dma_start3A_200 = arith.constant 0 : i32
        %dma_start3A_201 = arith.constant 0 : i32
        %dma_start3A_202 = tpu.memref_slice %arg5[%dma_start3A_198, %dma_start3A_199, %dma_start3A_200, %dma_start3A_201] : memref<2x8x2x128xi32, #tpu.memory_space<vmem>> -> memref<1x8x2x128xi32, #tpu.memory_space<vmem>>
        %dma_start3A_203 = tpu.memref_squeeze %dma_start3A_202 : memref<1x8x2x128xi32, #tpu.memory_space<vmem>> -> memref<8x2x128xi32, #tpu.memory_space<vmem>>
        %dma_start3A_204 = arith.constant 0 : i32
        %dma_start3A_205 = arith.constant 0 : i32
        %dma_start3A_206 = tpu.memref_slice %arg3[%add3A, %mul3A_197, %dma_start3A_204, %dma_start3A_205] : memref<32x80x2x128xi32, #tpu.memory_space<hbm>> -> memref<1x8x2x128xi32, #tpu.memory_space<hbm>>
        %dma_start3A_207 = tpu.memref_squeeze %dma_start3A_206 : memref<1x8x2x128xi32, #tpu.memory_space<hbm>> -> memref<8x2x128xi32, #tpu.memory_space<hbm>>
        %dma_start3A_208 = arith.constant 0 : i32
        %dma_start3A_209 = arith.constant 0 : i32
        %dma_start3A_210 = arith.constant 0 : i32
        %dma_start3A_211 = tpu.memref_slice %arg5[%dma_start3A_198, %dma_start3A_208, %dma_start3A_209, %dma_start3A_210] : memref<2x8x2x128xi32, #tpu.memory_space<vmem>> -> memref<1x8x2x128xi32, #tpu.memory_space<vmem>>
        %dma_start3A_212 = tpu.memref_squeeze %dma_start3A_211 : memref<1x8x2x128xi32, #tpu.memory_space<vmem>> -> memref<8x2x128xi32, #tpu.memory_space<vmem>>
        %dma_start3A_213 = arith.constant 0 : i32
        %dma_start3A_214 = arith.constant 0 : i32
        %dma_start3A_215 = tpu.memref_slice %arg3[%add3A, %mul3A_197, %dma_start3A_213, %dma_start3A_214] : memref<32x80x2x128xi32, #tpu.memory_space<hbm>> -> memref<1x8x2x128xi32, #tpu.memory_space<hbm>>
        %dma_start3A_216 = tpu.memref_squeeze %dma_start3A_215 : memref<1x8x2x128xi32, #tpu.memory_space<hbm>> -> memref<8x2x128xi32, #tpu.memory_space<hbm>>
        tpu.enqueue_dma source(%dma_start3A_216 : memref<8x2x128xi32, #tpu.memory_space<hbm>>) target(%dma_start3A_212 : memref<8x2x128xi32, #tpu.memory_space<vmem>>) target_semaphore(%arg11 : memref<!tpu.dma_semaphore, #tpu.memory_space<semaphore_mem>>)
      } else {
      }
    }
    %scan3A_77 = arith.constant 5 : i32
    %barrier3A_78 = arith.constant 0 : index
    tpu.barrier barrier_id(%barrier3A_78)
    "tpu.region"() ({
      %run_scoped3A_79 = tpu.sem_alloc : memref<!tpu.dma_semaphore, #tpu.memory_space<semaphore_mem>>
      %dma_start3A_80 = arith.constant 0 : i32
      %dma_start3A_81 = tpu.memref_slice %arg4[%arg0, %mul3A_8, %dma_start3A_80] : memref<2x10112x128xf32, #tpu.memory_space<hbm>> -> memref<1x632x128xf32, #tpu.memory_space<hbm>>
      %dma_start3A_82 = tpu.memref_squeeze %dma_start3A_81 : memref<1x632x128xf32, #tpu.memory_space<hbm>> -> memref<632x128xf32, #tpu.memory_space<hbm>>
      %dma_start3A_83 = arith.constant 0 : i32
      %dma_start3A_84 = tpu.memref_slice %arg7[%mul3A_8, %dma_start3A_83] : memref<10112x128xf32, #tpu.memory_space<vmem_shared>> -> memref<632x128xf32, #tpu.memory_space<vmem_shared>>
      tpu.enqueue_dma source(%dma_start3A_84 : memref<632x128xf32, #tpu.memory_space<vmem_shared>>) target(%dma_start3A_82 : memref<632x128xf32, #tpu.memory_space<hbm>>) target_semaphore(%run_scoped3A_79 : memref<!tpu.dma_semaphore, #tpu.memory_space<semaphore_mem>>)
      %dma_wait3A = arith.constant 0 : i32
      %dma_wait3A_85 = tpu.memref_slice %arg4[%arg0, %mul3A_8, %dma_wait3A] : memref<2x10112x128xf32, #tpu.memory_space<hbm>> -> memref<1x632x128xf32, #tpu.memory_space<hbm>>
      %dma_wait3A_86 = tpu.memref_squeeze %dma_wait3A_85 : memref<1x632x128xf32, #tpu.memory_space<hbm>> -> memref<632x128xf32, #tpu.memory_space<hbm>>
      %dma_wait3A_87 = arith.constant 0 : i32
      %dma_wait3A_88 = tpu.memref_slice %arg7[%mul3A_8, %dma_wait3A_87] : memref<10112x128xf32, #tpu.memory_space<vmem_shared>> -> memref<632x128xf32, #tpu.memory_space<vmem_shared>>
      tpu.wait_dma2 semaphore(%run_scoped3A_79 : memref<!tpu.dma_semaphore, #tpu.memory_space<semaphore_mem>>) src(%dma_wait3A_88 : memref<632x128xf32, #tpu.memory_space<vmem_shared>>) dst(%dma_wait3A_86 : memref<632x128xf32, #tpu.memory_space<hbm>>)
      tpu.yield
    }) : () -> ()
    return
  }
}

module attributes {stable_mosaic.version = 14 : i64} {
  func.func @_mm_body(%arg0: i32, %arg1: memref<2000x128xf32, #tpu.memory_space<vmem>>, %arg2: memref<2000x1xf32, #tpu.memory_space<vmem>>, %arg3: memref<128x128xf32, #tpu.memory_space<vmem>>, %arg4: memref<2000x128xf32, #tpu.memory_space<vmem>>) attributes {dimension_semantics = [#tpu.dimension_semantics<arbitrary>], iteration_bounds = array<i64: 5>, scalar_prefetch = 0 : i64, scratch_operands = 0 : i64, tpu.core_type = #tpu.core_type<tc>, window_params = [{transform_indices = @transform_0, window_bounds = array<i64: 2000, 128>}, {transform_indices = @transform_1, window_bounds = array<i64: 2000, 1>}, {pipeline_mode = #tpu.pipeline_mode<synchronous>, transform_indices = @transform_2, window_bounds = array<i64: 128, 128>}, {transform_indices = @transform_3, window_bounds = array<i64: 2000, 128>}]} {
    %get3A = arith.constant 0 : index
    %get3A_0 = arith.constant 0 : index
    %get3A_1 = vector.load %arg1[%get3A, %get3A_0] : memref<2000x128xf32, #tpu.memory_space<vmem>>, vector<2000x128xf32>
    %get3A_2 = arith.constant 0 : index
    %get3A_3 = arith.constant 0 : index
    %get3A_4 = vector.load %arg2[%get3A_2, %get3A_3] : memref<2000x1xf32, #tpu.memory_space<vmem>>, vector<2000x1xf32>
    %mul3A = vector.broadcast %get3A_4 : vector<2000x1xf32> to vector<2000x128xf32>
    %mul3A_5 = arith.mulf %get3A_1, %mul3A : vector<2000x128xf32>
    %get3A_6 = arith.constant 0 : index
    %get3A_7 = arith.constant 0 : index
    %get3A_8 = vector.load %arg3[%get3A_6, %get3A_7] : memref<128x128xf32, #tpu.memory_space<vmem>>, vector<128x128xf32>
    %dot_general3A = arith.constant dense<0.000000e+00> : vector<2000x128xf32>
    %dot_general3A_9 = tpu.matmul %mul3A_5, %get3A_8, %dot_general3A {dimension_numbers = #tpu.dot_dimension_numbers<[1], [0], [0], [1], [0, 0, 1, 1], [], []>, transpose_lhs_hint = false} : vector<2000x128xf32>, vector<128x128xf32>, vector<2000x128xf32> -> vector<2000x128xf32>
    %swap3A = arith.constant 0 : index
    %swap3A_10 = arith.constant 0 : index
    %swap3A_11 = vector.load %arg4[%swap3A, %swap3A_10] : memref<2000x128xf32, #tpu.memory_space<vmem>>, vector<2000x128xf32>
    tpu.vector_store %arg4[%swap3A, %swap3A_10], %dot_general3A_9 {strides = array<i32>} : memref<2000x128xf32, #tpu.memory_space<vmem>>, vector<2000x128xf32>,
    return
  }
  func.func @transform_0(%arg0: i32) -> (i32, i32) {
    %c0_i32 = arith.constant 0 : i32
    %c0_i32_0 = arith.constant 0 : i32
    return %arg0, %c0_i32 : i32, i32
  }
  func.func @transform_1(%arg0: i32) -> (i32, i32) {
    %c0_i32 = arith.constant 0 : i32
    %c0_i32_0 = arith.constant 0 : i32
    return %arg0, %c0_i32 : i32, i32
  }
  func.func @transform_2(%arg0: i32) -> (i32, i32) {
    %c0_i32 = arith.constant 0 : i32
    %c0_i32_0 = arith.constant 0 : i32
    %c0_i32_1 = arith.constant 0 : i32
    return %c0_i32, %c0_i32_0 : i32, i32
  }
  func.func @transform_3(%arg0: i32) -> (i32, i32) {
    %c0_i32 = arith.constant 0 : i32
    %c0_i32_0 = arith.constant 0 : i32
    return %arg0, %c0_i32 : i32, i32
  }
}

module attributes {stable_mosaic.version = 14 : i64} {
  func.func @_ep_body(%arg0: i32, %arg1: memref<2x2000x128xf32, #tpu.memory_space<vmem>>, %arg2: memref<2000x1xf32, #tpu.memory_space<vmem>>, %arg3: memref<1x128xf32, #tpu.memory_space<vmem>>, %arg4: memref<2000x128xf32, #tpu.memory_space<vmem>>) attributes {dimension_semantics = [#tpu.dimension_semantics<arbitrary>], iteration_bounds = array<i64: 5>, scalar_prefetch = 0 : i64, scratch_operands = 0 : i64, tpu.core_type = #tpu.core_type<tc>, window_params = [{transform_indices = @transform_0, window_bounds = array<i64: 2, 2000, 128>}, {transform_indices = @transform_1, window_bounds = array<i64: 2000, 1>}, {pipeline_mode = #tpu.pipeline_mode<synchronous>, transform_indices = @transform_2, window_bounds = array<i64: 1, 128>}, {transform_indices = @transform_3, window_bounds = array<i64: 2000, 128>}]} {
    %get3A = arith.constant 0 : index
    %get3A_0 = arith.constant 0 : index
    %get3A_1 = vector.load %arg2[%get3A, %get3A_0] : memref<2000x1xf32, #tpu.memory_space<vmem>>, vector<2000x1xf32>
    %get3A_2 = arith.constant 0 : index
    %get3A_3 = arith.constant 0 : index
    %get3A_4 = arith.constant 0 : index
    %get3A_5 = vector.load %arg1[%get3A_2, %get3A_3, %get3A_4] : memref<2x2000x128xf32, #tpu.memory_space<vmem>>, vector<1x2000x128xf32>
    %get3A_6 = vector.shape_cast %get3A_5 : vector<1x2000x128xf32> to vector<2000x128xf32>
    %get3A_7 = arith.constant 1 : index
    %get3A_8 = arith.constant 0 : index
    %get3A_9 = arith.constant 0 : index
    %get3A_10 = vector.load %arg1[%get3A_7, %get3A_8, %get3A_9] : memref<2x2000x128xf32, #tpu.memory_space<vmem>>, vector<1x2000x128xf32>
    %get3A_11 = vector.shape_cast %get3A_10 : vector<1x2000x128xf32> to vector<2000x128xf32>
    %add3A = arith.addf %get3A_6, %get3A_11 : vector<2000x128xf32>
    %mul3A = vector.broadcast %get3A_1 : vector<2000x1xf32> to vector<2000x128xf32>
    %mul3A_12 = arith.mulf %mul3A, %add3A : vector<2000x128xf32>
    %get3A_13 = arith.constant 0 : index
    %get3A_14 = arith.constant 0 : index
    %get3A_15 = vector.load %arg3[%get3A_13, %get3A_14] : memref<1x128xf32, #tpu.memory_space<vmem>>, vector<1x128xf32>
    %add3A_16 = vector.broadcast %get3A_15 : vector<1x128xf32> to vector<2000x128xf32>
    %add3A_17 = arith.addf %mul3A_12, %add3A_16 : vector<2000x128xf32>
    %swap3A = arith.constant 0 : index
    %swap3A_18 = arith.constant 0 : index
    %swap3A_19 = vector.load %arg4[%swap3A, %swap3A_18] : memref<2000x128xf32, #tpu.memory_space<vmem>>, vector<2000x128xf32>
    tpu.vector_store %arg4[%swap3A, %swap3A_18], %add3A_17 {strides = array<i32>} : memref<2000x128xf32, #tpu.memory_space<vmem>>, vector<2000x128xf32>,
    return
  }
  func.func @transform_0(%arg0: i32) -> (i32, i32, i32) {
    %c0_i32 = arith.constant 0 : i32
    %c0_i32_0 = arith.constant 0 : i32
    %c0_i32_1 = arith.constant 0 : i32
    return %c0_i32, %arg0, %c0_i32_0 : i32, i32, i32
  }
  func.func @transform_1(%arg0: i32) -> (i32, i32) {
    %c0_i32 = arith.constant 0 : i32
    %c0_i32_0 = arith.constant 0 : i32
    return %arg0, %c0_i32 : i32, i32
  }
  func.func @transform_2(%arg0: i32) -> (i32, i32) {
    %c0_i32 = arith.constant 0 : i32
    %c0_i32_0 = arith.constant 0 : i32
    %c0_i32_1 = arith.constant 0 : i32
    return %c0_i32, %c0_i32_0 : i32, i32
  }
  func.func @transform_3(%arg0: i32) -> (i32, i32) {
    %c0_i32 = arith.constant 0 : i32
    %c0_i32_0 = arith.constant 0 : i32
    return %arg0, %c0_i32 : i32, i32
  }
}

</mosaic_0001>

<sc_bundles>
// kernel: kernel.5.cloned.1.call-start
scs
__scs_entry_jumppad:
0x0: {  	(pc) =	sbr.rel $0x88, $3  }
0x1: {  	(tag) =	ssettag $0x0;
	lr =	simm.s32 $0x1  }
0x2: {  	[smem:$0x3F9B] =	sst lr;
	_ =	strace $0xD0000000  }
0x3: {  	_ = 	snop  }
0x4: {  	_ = 	snop  }
0x5: {  	_ = 	snop  }
0x6: {  	_ = 	snop  }
0x7: {  	_ = 	snop  }
__scs_overlays_trampoline_lowered:
0x8: {  	[smem:$0x3FAA] =	sst s0  }
0x9: {  	[smem:$0x3FAB] =	sst s1  }
0xa: {  	[smem:$0x3FAC] =	sst s2  }
0xb: {  	[smem:$0x3FAD] =	sst s3  }
0xc: {  	[smem:$0x3FAE] =	sst s4  }
0xd: {  	[smem:$0x3FAF] =	sst s5  }
0xe: {  	[smem:$0x3FB0] =	sst s6  }
0xf: {  	[smem:$0x3FB1] =	sst s7  }
0x10: {  	[smem:$0x3FB2] =	sst s8  }
0x11: {  	[smem:$0x3FB3] =	sst s9;
	s0 =	simm.s32 @!p0 $0x0  }
0x12: {  	s1 =	sld [smem:$0x3F99];
	s0 =	simm.s32 @p0 $0x1  }
0x13: {  	[smem:$0x3FB4] =	sst s0;
	s0 =	simm.s32 @!p1 $0x0  }
0x14: {  	s2 =	sld [smem:$0x3F98];
	s0 =	simm.s32 @p1 $0x1  }
0x15: {  	[smem:$0x3FB5] =	sst s0;
	s0 =	simm.s32 @!p2 $0x0  }
0x16: {  	s3 =	sld [smem:$0x3FDB];
	s0 =	simm.s32 @p2 $0x1  }
0x17: {  	s4 =	simm.s32 $0x1BF5;
	[smem:$0x3FB7] =	sst s0  }
0x18: {  	s0 =	sld [smem:$0x3F9A];
	_ =	swait.ge [sflag:s4], $0x0  }
0x19: {  	s7 =	sld [smem:$0x3F9B]  }
0x1a: {  	s8 =	sadd.s32 $0xFFFFE003, lr  }
0x1b: {  	s9 =	sadd.s32 $0xFFFFFEF7, lr;
	s5 =	simm.s32 $0xFFFFFFFF;
	p2 =	slt.u32 s8, $0xFFFFF086  }
0x1c: {  	p1 =	slt.u32 s9, $0xF7A;
	s5 =	simm.s32 @!p2 $0x0  }
0x1d: {  	s5 =	simm.s32 @p1 $0x1;
	p0 =	seq.s32 s7, s2  }
0x1e: {  	s7 =	smul.u32 @!p0 $0xF7A, s2;
	p2 =	seq.s32 @!p0 s5, $0x0  }
0x1f: {  	s9 =	smul.u32 $0xF7A, s1;
	s8 =	simm.s32 @!p0 $0x1BF5;
	p2 =	por !p2, p0  }
0x20: {  	[sflag:s8] =	ssyncset.s32 @!p0 $0xFFFFF086;
	s6 =	sadd.s32 @!p0 s3, s7;
	s7 =	simm.s32 @!p0 $0x108  }
0x21: {  	s3 =	sadd.s32 s3, s9;
	s6 =	sadd.s32 @!p0 $0x88, s6;
	s7 =	simm.s32 @p2 $0x1082  }
0x22: {  	[simem:s7], [sflag:s8] =	dma.local @!p0 [hbm:s6], $0xF7A  }
0x23: {  	s9 =	sor.u32 $0xD0000000, s2;
	s6 =	simm.s32 $0x108;
	_ =	swait.ge @!p0 [sflag:s8], $0x0  }
0x24: {  	s3 =	sadd.s32 $0x88, s3;
	s6 =	simm.s32 @!p1 $0x1082;
	[sflag:s4] =	ssyncset.s32 $0xFFFFF086  }
0x25: {  	[simem:s6], [sflag:s4] =	dma.local [hbm:s3], $0xF7A  }
0x26: {  	[smem:$0x3F9B] =	sst s1;
	(tag) =	ssettag s2;
	_ =	strace s9  }
0x27: {  	s1 =	sld [smem:$0x3FAB]  }
0x28: {  	s2 =	sld [smem:$0x3FAC]  }
0x29: {  	s4 =	sld [smem:$0x3FAE]  }
0x2a: {  	p0 =	seq.s32 s5, $0x0;
	s5 =	sld [smem:$0x3FAF]  }
0x2b: {  	s6 =	sld [smem:$0x3FB0]  }
0x2c: {  	s7 =	sld [smem:$0x3FB1]  }
0x2d: {  	s3 =	simm.s32 $0x108;
	s8 =	sld [smem:$0x3FB2]  }
0x2e: {  	s3 =	simm.s32 @!p0 $0x1082;
	s9 =	sld [smem:$0x3FB3]  }
0x2f: {  	lr =	sadd.s32 s0, s3;
	s0 =	sld [smem:$0x3FAA]  }
0x30: {  	s3 =	sld [smem:$0x3FAD]  }
0x31: {  	[smem:$0x3FB6] =	sst s10  }
0x32: {  	s10 =	sld [smem:$0x3FB4];
	_ =	sdelay $0x3  }
0x33: {  	p0 =	seq.s32 s10, $0x1;
	s10 =	sld [smem:$0x3FB6];
	_ =	sdelay $0x3  }
0x34: {  	[smem:$0x3FB6] =	sst s10  }
0x35: {  	s10 =	sld [smem:$0x3FB5];
	_ =	sdelay $0x3  }
0x36: {  	p1 =	seq.s32 s10, $0x1;
	s10 =	sld [smem:$0x3FB6];
	_ =	sdelay $0x3  }
0x37: {  	[smem:$0x3FB6] =	sst s10  }
0x38: {  	s10 =	sld [smem:$0x3FB7]  }
0x39: {  	_ = 	snop;
	(pc) =	sbr.ind lr, $3  }
0x3a: {  	_ = 	snop  }
0x3b: {  	_ = 	snop  }
0x3c: {  	p2 =	seq.s32 s10, $0x1;
	s10 =	sld [smem:$0x3FB6]  }
0x3d: {  	_ =	shalt  }
0x3e: {  	_ =	shalt  }
0x3f: {  	_ =	shalt  }
0x40: {  	_ =	shalt  }
0x41: {  	_ =	shalt  }
0x42: {  	_ =	shalt  }
0x43: {  	_ =	shalt  }
0x44: {  	_ =	shalt  }
0x45: {  	_ =	shalt  }
0x46: {  	_ =	shalt  }
0x47: {  	_ =	shalt  }
0x48: {  	_ =	shalt  }
0x49: {  	_ =	shalt  }
0x4a: {  	_ =	shalt  }
0x4b: {  	_ =	shalt  }
0x4c: {  	_ =	shalt  }
0x4d: {  	_ =	shalt  }
0x4e: {  	_ =	shalt  }
0x4f: {  	_ =	shalt  }
0x50: {  	_ =	shalt  }
0x51: {  	_ =	shalt  }
0x52: {  	_ =	shalt  }
0x53: {  	_ =	shalt  }
0x54: {  	_ =	shalt  }
0x55: {  	_ =	shalt  }
0x56: {  	_ =	shalt  }
0x57: {  	_ =	shalt  }
0x58: {  	_ =	shalt  }
0x59: {  	_ =	shalt  }
0x5a: {  	_ =	shalt  }
0x5b: {  	_ =	shalt  }
0x5c: {  	_ =	shalt  }
0x5d: {  	_ =	shalt  }
0x5e: {  	_ =	shalt  }
0x5f: {  	_ =	shalt  }
0x60: {  	_ =	shalt  }
0x61: {  	_ =	shalt  }
0x62: {  	_ =	shalt  }
0x63: {  	_ =	shalt  }
0x64: {  	_ =	shalt  }
0x65: {  	_ =	shalt  }
0x66: {  	_ =	shalt  }
0x67: {  	_ =	shalt  }
0x68: {  	_ =	shalt  }
0x69: {  	_ =	shalt  }
0x6a: {  	_ =	shalt  }
0x6b: {  	_ =	shalt  }
0x6c: {  	_ =	shalt  }
0x6d: {  	_ =	shalt  }
0x6e: {  	_ =	shalt  }
0x6f: {  	_ =	shalt  }
0x70: {  	_ =	shalt  }
0x71: {  	_ =	shalt  }
0x72: {  	_ =	shalt  }
0x73: {  	_ =	shalt  }
0x74: {  	_ =	shalt  }
0x75: {  	_ =	shalt  }
0x76: {  	_ =	shalt  }
0x77: {  	_ =	shalt  }
0x78: {  	_ =	shalt  }
0x79: {  	_ =	shalt  }
0x7a: {  	_ =	shalt  }
0x7b: {  	_ =	shalt  }
0x7c: {  	_ =	shalt  }
0x7d: {  	_ =	shalt  }
0x7e: {  	_ =	shalt  }
0x7f: {  	_ =	shalt  }
0x80: {  	_ =	shalt  }
0x81: {  	_ =	shalt  }
0x82: {  	_ =	shalt  }
0x83: {  	_ =	shalt  }
0x84: {  	_ =	shalt  }
0x85: {  	_ =	shalt  }
0x86: {  	_ =	shalt  }
0x87: {  	_ =	shalt  }
.Lfunc_end0:
.L_simem_size_0:
called_computation_lowered:
.L_overlay_start_0:
0x88: {  	s2 =	sld [smem:$0x3FD9]  }
0x89: {  	s3 =	sld [smem:$0x3FFE];
	_ =	sdelay $0x1  }
0x8a: {  	s1 =	srdreg.scid  }
0x8b: {  	s0 =	sand.u32 $0x1, s1  }
0x8c: {  	s17 =	sshll.u32 s0, $0xA;
	s2 =	sadd.s32 s3, s2  }
0x8d: {  	s2 =	sadd.s32 s2, s17  }
0x8e: {  	[smem:$0x3FC2] =	sst s2  }
0x8f: {  	_ = 	snop  }
0x90: {  	s2 =	sld [smem:$0x3FD0];
	(tm) =	ssettm $0x1  }
0x91: {  	s18 =	sld [smem:$0x3FFB];
	_ =	sdelay $0x3  }
0x92: {  	_ =	strace s18  }
0x93: {  	s3 =	sld [smem:$0x3FFC];
	_ =	sdelay $0x3  }
0x94: {  	_ =	strace s3  }
0x95: {  	s3 =	sld [smem:$0x3FFD];
	_ =	sdelay $0x3  }
0x96: {  	_ =	strace s3  }
0x97: {  	_ =	strace $0x8FFFFFFF  }
0x98: {  	s19 =	sld [smem:$0x3FDB];
	_ =	sdelay $0x1  }
0x99: {  	s4 =	simm.s32 $_scs_section_size  }
0x9a: {  	s5 =	simm.s32 $_size__tile_overlayer_lowered;
	s6 =	simm.s32 $_tile_overlayer_lowered  }
0x9b: {  	s22 =	simm.s32 $0x1BFF;
	s21 =	sshll.u32 s6, $0x1;
	s3 =	sadd.s32 s4, s19  }
0x9c: {  	s7 =	simm.s32 $0x0;
	s20 =	sshll.u32 s5, $0x1;
	s5 =	sadd.s32 s21, s3  }
0x9d: {  	[timem:s7], [sflag:s22] =	dma.local [hbm:s5], s20  }
0x9e: {  	_ =	swait.ge [sflag:s22], s20  }
0x9f: {  	s4 =	ssub.s32 $0x0, s20;
	[sflag:s22] =	ssyncset.done $0x0  }
0xa0: {  	[sflag:s22] =	ssyncadd.s32 s4;
	_ =	sdelay $0x1  }
0xa1: {  	s23 =	simm.s32 $0x1B8B  }
0xa2: {  	_ =	swait.ge [sflag:s23], $0x1  }
0xa3: {  	[sflag:s23] =	ssyncset.done $0x0  }
0xa4: {  	s25 =	simm.s32 $0x1B8E;
	s24 =	sld [smem:$0x3FFE];
	[sflag:s23] =	ssyncadd.s32 $0xFFFFFFFF  }
0xa5: {  	s26 =	simm.s32 $execute0_lowered;
	[smem:$0x3FD2] =	sst s25  }
0xa6: {  	s5 =	sshll.u32 s26, $0x1;
	_ =	strace $0x80000046;
	[dreg:$0x1] =	wrdreg $0xFFFFFFFF  }
0xa7: {  	s28 =	simm.s32 $_size_execute0_lowered;
	s3 =	sadd.s32 s3, s5;
	[dreg:$0x0] =	wrdreg $0x0  }
0xa8: {  	s5 =	sshll.u32 s28, $0x1;
	[dreg:$0x2] =	wrdreg s3  }
0xa9: {  	[dreg:$0x3] =	wrdreg s5  }
0xaa: {  	[dreg:$0x4] =	wrdreg $0xC0  }
0xab: {  	_ =	task [dreg:s7], $0x5FFFF  }
0xac: {  	[dreg:$0x1] =	wrdreg $0xFFFFFFFF  }
0xad: {  	[dreg:$0x0] =	wrdreg $0x60  }
0xae: {  	[dreg:$0x2] =	wrdreg s2  }
0xaf: {  	[dreg:$0x3] =	wrdreg s24  }
0xb0: {  	[dreg:$0x4] =	wrdreg $0x90000  }
0xb1: {  	[dreg:$0x5] =	wrdreg $0x9  }
0xb2: {  	_ =	task.clear_ibuf [dreg:s7], $0x6FFFF;
	_ =	strace $0x90000046  }
0xb3: {  	s29 =	simm.s32 $0x9;
	_ =	strace $0x80000048  }
0xb4: {  	_ =	swait.ge [sflag:s29], $0x1  }
0xb5: {  	[sflag:s29] =	ssyncadd.s32 $0xFFFFFFFF  }
0xb6: {  	_ =	strace $0x90000048  }
0xb7: {  	_ =	sfence  }
0xb8: {  	s30 =	sld [smem:$0x0];
	_ =	sdelay $0x2  }
0xb9: {  	s31 =	sshll.u32 s1, $0xD;
	s1 =	sshrl.u32 s1, $0x2  }
0xba: {  	s3 =	sand.u32 $0x4000, s31;
	s1 =	sadd.s32 s1, s30  }
0xbb: {  	s0 =	sor.u32 s3, s0;
	s1 =	sshll.u32 s1, $0x11  }
0xbc: {  	s0 =	sor.u32 s1, s0  }
0xbd: {  	s0 =	sadd.s32 $0x8F2B, s0  }
0xbe: {  	[sflag:s0] =	ssyncadd.remote.s32 $0x1  }
0xbf: {  	_ =	sfence.sel $0xFFFF  }
0xc0: {  	[dreg:$0x0] =	wrdreg $0xFFFFFFFF;
	(pc) =	sbr.abs _section_cstart, $3  }
0xc1: {  	[dreg:$0x1] =	wrdreg $0xFFFFFFFF  }
0xc2: {  	_ =	task.clear_ibuf [dreg:s7], $0x2FFFF;
	_ =	strace $0x9FFFFFFF  }
0xc3: {  	(tm) =	ssettm $0x7FFFFFFF  }
tec
execute0_lowered:
.L_overlay_start_1:
0x0: {  	(tag) =	ssettag $0x1  }
0x1: {  	s1 =	rddreg [dreg:$0x0]  }
0x2: {  	s0 =	rddreg [dreg:$0x1]  }
0x3: {  	s3 =	rddreg [dreg:$0x2]  }
0x4: {  	s2 =	srdreg.scid;
	s11 =	stileid.u32;
	s4 =	simm.s32 $0x0  }
0x5: {  	s13 =	simm.s32 $0x4;
	s28 =	simm.s32 $0xB80;
	s6 =	smul.u32 $0x13C00, s11  }
0x6: {  	s29 =	simm.s32 $0xD00;
	s30 =	simm.s32 $0xC80;
	s9 =	smul.u32 $0x4F000, s11  }
0x7: {  	s31 =	simm.s32 $0xE00;
	s2 =	sand.u32 $0x1, s2;
	s16 =	smul.u32 $0x5000, s11  }
0x8: {  	[smem:$0x7FF] =	sst s4;
	s5 =	sadd.s32 $0x1800, s0;
	s7 =	smul.u32 $0x13C000, s2  }
0x9: {  	_ =	strace $0x80000047;
	s8 =	sshll.u32 s2, $0x4;
	s15 =	ssub.s32 $0x2, s2  }
0xa: {  	s2 =	smul.u32 $0x50000, s2;
	s8 =	sor.u32 s11, s8;
	s10 =	sshrl.u32 s15, $0x1  }
0xb: {  	s9 =	sshrl.u32 s9, $0x2;
	s14 =	sadd.s32 s6, s3;
	s11 =	simm.s32 $0x0  }
0xc: {  	s7 =	sadd.s32 s6, s7;
	s8 =	smul.u32 $0x5000, s8;
	s9 =	sadd.s32 s9, s3  }
0xd: {  	s2 =	sadd.s32 s16, s2;
	s16 =	simm.s32 $0xA00;
	s6 =	simm.s32 $0x980  }
0xe: {  	[dreg:$0x4] =	wrdreg s14;
	s7 =	sshrl.u32 s7, $0x3;
	s17 =	sadd.s32 $0x4000, s9  }
0xf: {  	s18 =	sadd.s32 $0x8000, s9;
	s19 =	sadd.s32 $0xC000, s9;
	s21 =	sadd.s32 $0x10000, s9  }
0x10: {  	s23 =	sadd.s32 $0x1800, s2;
	s26 =	sadd.s32 $0x1000, s2;
	[dreg:$0x5] =	wrdreg s17  }
0x11: {  	s2 =	simm.s32 $0xF00;
	s9 =	simm.s32 $0x3;
	[dreg:$0x6] =	wrdreg s18  }
0x12: {  	s0 =	sadd.s32 s7, s0;
	s7 =	ssub.s32 s15, s10;
	[dreg:$0x7] =	wrdreg s19  }
0x13: {  	s20 =	sshrl.u32 s8, $0x3;
	[dreg:$0x8] =	wrdreg s21;
	s24 =	sshrl.u32 s23, $0x3  }
0x14: {  	[dreg:$0xd] =	wrdreg s26;
	s17 =	simm.s32 $0x1000;
	s18 =	simm.s32 $0x5  }
0x15: {  	s19 =	simm.s32 $0x80;
	s21 =	simm.s32 $0x5000;
	s23 =	simm.s32 $0x1  }
0x16: {  	s26 =	simm.s32 $0xC00;
	s22 =	sadd.s32 s5, s20;
	s0 =	sadd.s32 $0x15800, s0  }
.Ltmp0:
0x17: {  	s25 =	smax.u32 s7, $0x1;
	s15 =	sadd.s32 s24, s5;
	(pc) =	sbr.rel .LBB2_1-.Ltmp0, $4  }
0x18: {  	s20 =	simm.s32 $0xB00;
	s24 =	simm.s32 $0xA80;
	[dreg:$0x9] =	wrdreg s22  }
0x19: {  	s7 =	simm.s32 $0xE80;
	s8 =	sadd.s32 $0x100, s22;
	[dreg:$0xb] =	wrdreg s0  }
0x1a: {  	[dreg:$0xc] =	wrdreg s25;
	s22 =	simm.s32 $0x800;
	s25 =	simm.s32 $0x2  }
0x1b: {  	v0 =	vimm.f32 $0.0e+00;
	s0 =	simm.s32 $0xD80;
	[dreg:$0xa] =	wrdreg s8;
	s8 =	simm.s32 $0xF80  }
.LBB2_6:
0x1c: {  	s10 =	stileid.u32;
	[bflag:$0x0] =	sbarrier.arrive $0xFFFF  }
0x1d: {  	s10 =	sshll.u32 s10, $0x6;
	s14 =	rddreg [dreg:$0x4]  }
0x1e: {  	s12 =	rddreg [dreg:$0xb];
	s10 =	sor.u32 $0x1C05, s10;
	s11 =	sshrl.u32 s14, $0x3  }
0x1f: {  	[hbm:s12], [sflag:s10] =	dma.local [spmem:s11], $0x2780  }
0x20: {  	_ =	swait.ge [sflag:s18], $0x2780  }
0x21: {  	s10 =	rddreg [dreg:$0xe]  }
0x22: {  	s12 =	rddreg [dreg:$0xc];
	s11 =	sadd.s32 $0x1, s10  }
0x23: {  	p0 =	sne.s32 s11, s12  }
.Ltmp1:
0x24: {  	_ = 	snop;
	(pc) =	sbr.rel @!p0 .LBB2_7-.Ltmp1, $3  }
0x25: {  	_ =	sdelay $0x1  }
0x26: {  	[sflag:s18] =	ssyncset.done $0x0  }
0x27: {  	[sflag:s18] =	ssyncadd.s32 $0xFFFFD880  }
.LBB2_1:
0x28: {  	[dreg:$0xe] =	wrdreg s11;
	s10 =	simm.s32 $0x0;
	s12 =	simm.s32 $0x200  }
.LBB2_2:
0x29: {  	p0 =	sne.s32 s12, $0xFE00;
	[tilespmem:s10+$0x1070] =	vst v0  }
0x2a: {  	[tilespmem:s10+$0x1000] =	vst v0  }
0x2b: {  	[tilespmem:s10+$0x1010] =	vst v0  }
.Ltmp2:
0x2c: {  	[tilespmem:s10+$0x1020] =	vst v0;
	(pc) =	sbr.rel @p0 .LBB2_2-.Ltmp2, $4  }
0x2d: {  	[tilespmem:s10+$0x1030] =	vst v0  }
0x2e: {  	[tilespmem:s10+$0x1040] =	vst v0  }
0x2f: {  	[tilespmem:s10+$0x1050] =	vst v0  }
0x30: {  	[tilespmem:s10+$0x1060] =	vst v0;
	s10 =	sshra.s32 s12, $0x2;
	s12 =	sadd.s32 $0x200, s12  }
0x31: {  	[tilespmem:s10+$0x1070] =	vst v0  }
0x32: {  	[tilespmem:s10+$0x1000] =	vst v0  }
0x33: {  	[tilespmem:s10+$0x1010] =	vst v0  }
0x34: {  	[tilespmem:s10+$0x1020] =	vst v0  }
0x35: {  	[tilespmem:s10+$0x1030] =	vst v0  }
0x36: {  	[tilespmem:s10+$0x1040] =	vst v0  }
0x37: {  	[tilespmem:s10+$0x1050] =	vst v0  }
0x38: {  	[tilespmem:s10+$0x1060] =	vst v0  }
0x39: {  	[spmem:s14] =	stream.linear.scatter [tilespmem:s17], [sflag:$0x5], $0x4000, $0x38;
	[tilespmem:$0x1CC00] =	vst v63  }
0x3a: {  	_ =	swait.ge [sflag:s18], $0x4000  }
0x3b: {  	[sflag:s18] =	ssyncset.done $0x0  }
0x3c: {  	s11 =	rddreg [dreg:$0x5];
	[sflag:s18] =	ssyncadd.s32 $0xFFFFC000  }
0x3d: {  	[spmem:s11] =	stream.linear.scatter [tilespmem:s17], [sflag:$0x5], $0x4000, $0x38;
	[tilespmem:$0x1CC00] =	vst v63  }
0x3e: {  	_ =	swait.ge [sflag:s18], $0x4000  }
0x3f: {  	[sflag:s18] =	ssyncset.done $0x0  }
0x40: {  	s12 =	rddreg [dreg:$0x6];
	[sflag:s18] =	ssyncadd.s32 $0xFFFFC000  }
0x41: {  	[spmem:s12] =	stream.linear.scatter [tilespmem:s17], [sflag:$0x5], $0x4000, $0x38;
	[tilespmem:$0x1CC00] =	vst v63  }
0x42: {  	_ =	swait.ge [sflag:s18], $0x4000  }
0x43: {  	[sflag:s18] =	ssyncset.done $0x0  }
0x44: {  	s14 =	rddreg [dreg:$0x7];
	[sflag:s18] =	ssyncadd.s32 $0xFFFFC000  }
0x45: {  	[spmem:s14] =	stream.linear.scatter [tilespmem:s17], [sflag:$0x5], $0x4000, $0x38;
	[tilespmem:$0x1CC00] =	vst v63  }
0x46: {  	_ =	swait.ge [sflag:s18], $0x4000  }
0x47: {  	[sflag:s18] =	ssyncset.done $0x0  }
0x48: {  	s11 =	rddreg [dreg:$0x8];
	[sflag:s18] =	ssyncadd.s32 $0xFFFFC000  }
0x49: {  	[spmem:s11] =	stream.linear.scatter [tilespmem:s17], [sflag:$0x5], $0x3C00, $0x38;
	[tilespmem:$0x1CC00] =	vst v63  }
0x4a: {  	_ =	swait.ge [sflag:s18], $0x3C00  }
0x4b: {  	[sflag:s18] =	ssyncset.done $0x0  }
0x4c: {  	[sflag:s18] =	ssyncadd.s32 $0xFFFFC400  }
0x4d: {  	[bflag:$0x0] =	sbarrier.arrive $0xFFFF  }
0x4e: {  	s10 =	simm.s32 $0x0;
	s11 =	rddreg [dreg:$0x9]  }
0x4f: {  	[tilespmem:s10], [sflag:$0x5] =	stream.linear.gather [hbm4b:s11+s10], $0x800, $0x38;
	[tilespmem:$0x1CC00] =	vst v63  }
0x50: {  	_ =	swait.ge [sflag:s18], $0x800  }
0x51: {  	[sflag:s18] =	ssyncset.done $0x0  }
0x52: {  	[sflag:s18] =	ssyncadd.s32 $0xFFFFF800  }
0x53: {  	[tilespmem:s17], [sflag:$0x1] =	stream.indirect.gather [hbm4b:s1+s19], $0x80, s10, s19, $0xb8;
	[tilespmem:$0x1CC00] =	vst v63  }
0x54: {  	s12 =	simm.s32 $0x100;
	s14 =	rddreg [dreg:$0xa]  }
0x55: {  	[tilespmem:s21], [sflag:$0x2] =	stream.indirect.gather [hbm4b:s1+s19], $0x80, s12, s19, $0xb8;
	[tilespmem:$0x1CC00] =	vst v63  }
0x56: {  	s12 =	rddreg [dreg:$0xd]  }
0x57: {  	[tilespmem:s22], [sflag:$0x4] =	stream.linear.gather [hbm4b:s14+s10], $0x800, $0x38;
	[tilespmem:$0x1CC00] =	vst v63  }
.LBB2_4:
0x58: {  	_ =	swait.ge [sflag:s23], $0x4000  }
0x59: {  	[sflag:s23] =	ssyncset.done $0x0  }
0x5a: {  	[sflag:s23] =	ssyncadd.s32 $0xFFFFC000  }
0x5b: {  	[spmem:s3] =	stream.indirect.scatter.add.f32 [tilespmem:s17], [sflag:$0x5], $0x80, s19, s19, $0xb8;
	[tilespmem:$0x1CC00] =	vst v63  }
0x5c: {  	_ =	swait.ge [sflag:s18], $0x4000  }
0x5d: {  	[sflag:s18] =	ssyncset.done $0x0  }
0x5e: {  	s11 =	simm.s32 $0x200;
	[sflag:s18] =	ssyncadd.s32 $0xFFFFC000  }
0x5f: {  	[tilespmem:s17], [sflag:$0x1] =	stream.indirect.gather [hbm4b:s1+s19], $0x80, s11, s19, $0xb8;
	[tilespmem:$0x1CC00] =	vst v63  }
0x60: {  	_ =	swait.ge [sflag:s25], $0x4000  }
0x61: {  	[sflag:s25] =	ssyncset.done $0x0  }
0x62: {  	s14 =	simm.s32 $0x180;
	[sflag:s25] =	ssyncadd.s32 $0xFFFFC000  }
0x63: {  	[spmem:s3] =	stream.indirect.scatter.add.f32 [tilespmem:s21], [sflag:$0x5], $0x80, s14, s19, $0xb8;
	[tilespmem:$0x1CC00] =	vst v63  }
0x64: {  	_ =	swait.ge [sflag:s18], $0x4000  }
0x65: {  	[sflag:s18] =	ssyncset.done $0x0  }
0x66: {  	s14 =	simm.s32 $0x300;
	[sflag:s18] =	ssyncadd.s32 $0xFFFFC000  }
0x67: {  	[tilespmem:s21], [sflag:$0x2] =	stream.indirect.gather [hbm4b:s1+s19], $0x80, s14, s19, $0xb8;
	[tilespmem:$0x1CC00] =	vst v63  }
0x68: {  	_ =	swait.ge [sflag:s23], $0x4000  }
0x69: {  	[sflag:s23] =	ssyncset.done $0x0  }
0x6a: {  	s14 =	simm.s32 $0x280;
	[sflag:s23] =	ssyncadd.s32 $0xFFFFC000  }
0x6b: {  	[spmem:s3] =	stream.indirect.scatter.add.f32 [tilespmem:s17], [sflag:$0x5], $0x80, s14, s19, $0xb8;
	[tilespmem:$0x1CC00] =	vst v63  }
0x6c: {  	_ =	swait.ge [sflag:s18], $0x4000  }
0x6d: {  	[sflag:s18] =	ssyncset.done $0x0  }
0x6e: {  	s14 =	simm.s32 $0x400;
	[sflag:s18] =	ssyncadd.s32 $0xFFFFC000  }
0x6f: {  	[tilespmem:s17], [sflag:$0x1] =	stream.indirect.gather [hbm4b:s1+s19], $0x80, s14, s19, $0xb8;
	[tilespmem:$0x1CC00] =	vst v63  }
0x70: {  	_ =	swait.ge [sflag:s25], $0x4000  }
0x71: {  	[sflag:s25] =	ssyncset.done $0x0  }
0x72: {  	s14 =	simm.s32 $0x380;
	[sflag:s25] =	ssyncadd.s32 $0xFFFFC000  }
0x73: {  	[spmem:s3] =	stream.indirect.scatter.add.f32 [tilespmem:s21], [sflag:$0x5], $0x80, s14, s19, $0xb8;
	[tilespmem:$0x1CC00] =	vst v63  }
0x74: {  	_ =	swait.ge [sflag:s18], $0x4000  }
0x75: {  	[sflag:s18] =	ssyncset.done $0x0  }
0x76: {  	s14 =	simm.s32 $0x500;
	[sflag:s18] =	ssyncadd.s32 $0xFFFFC000  }
0x77: {  	[tilespmem:s21], [sflag:$0x2] =	stream.indirect.gather [hbm4b:s1+s19], $0x80, s14, s19, $0xb8;
	[tilespmem:$0x1CC00] =	vst v63  }
0x78: {  	_ =	swait.ge [sflag:s23], $0x4000  }
0x79: {  	[sflag:s23] =	ssyncset.done $0x0  }
0x7a: {  	s14 =	simm.s32 $0x480;
	[sflag:s23] =	ssyncadd.s32 $0xFFFFC000  }
0x7b: {  	[spmem:s3] =	stream.indirect.scatter.add.f32 [tilespmem:s17], [sflag:$0x5], $0x80, s14, s19, $0xb8;
	[tilespmem:$0x1CC00] =	vst v63  }
0x7c: {  	_ =	swait.ge [sflag:s18], $0x4000  }
0x7d: {  	[sflag:s18] =	ssyncset.done $0x0  }
0x7e: {  	s14 =	simm.s32 $0x600;
	[sflag:s18] =	ssyncadd.s32 $0xFFFFC000  }
0x7f: {  	[tilespmem:s17], [sflag:$0x1] =	stream.indirect.gather [hbm4b:s1+s19], $0x80, s14, s19, $0xb8;
	[tilespmem:$0x1CC00] =	vst v63  }
0x80: {  	_ =	swait.ge [sflag:s25], $0x4000  }
0x81: {  	[sflag:s25] =	ssyncset.done $0x0  }
0x82: {  	s14 =	simm.s32 $0x580;
	[sflag:s25] =	ssyncadd.s32 $0xFFFFC000  }
0x83: {  	[spmem:s3] =	stream.indirect.scatter.add.f32 [tilespmem:s21], [sflag:$0x5], $0x80, s14, s19, $0xb8;
	[tilespmem:$0x1CC00] =	vst v63  }
0x84: {  	_ =	swait.ge [sflag:s18], $0x4000  }
0x85: {  	[sflag:s18] =	ssyncset.done $0x0  }
0x86: {  	s14 =	simm.s32 $0x700;
	[sflag:s18] =	ssyncadd.s32 $0xFFFFC000  }
0x87: {  	[tilespmem:s21], [sflag:$0x2] =	stream.indirect.gather [hbm4b:s1+s19], $0x80, s14, s19, $0xb8;
	[tilespmem:$0x1CC00] =	vst v63  }
0x88: {  	_ =	swait.ge [sflag:s23], $0x4000  }
0x89: {  	[sflag:s23] =	ssyncset.done $0x0  }
0x8a: {  	s14 =	simm.s32 $0x680;
	[sflag:s23] =	ssyncadd.s32 $0xFFFFC000  }
0x8b: {  	[spmem:s3] =	stream.indirect.scatter.add.f32 [tilespmem:s17], [sflag:$0x5], $0x80, s14, s19, $0xb8;
	[tilespmem:$0x1CC00] =	vst v63  }
0x8c: {  	_ =	swait.ge [sflag:s18], $0x4000  }
0x8d: {  	[sflag:s18] =	ssyncset.done $0x0  }
0x8e: {  	[sflag:s18] =	ssyncadd.s32 $0xFFFFC000  }
0x8f: {  	_ =	swait.ge [sflag:s25], $0x4000  }
0x90: {  	[sflag:s25] =	ssyncset.done $0x0  }
0x91: {  	s14 =	simm.s32 $0x780;
	[sflag:s25] =	ssyncadd.s32 $0xFFFFC000  }
0x92: {  	[spmem:s3] =	stream.indirect.scatter.add.f32 [tilespmem:s21], [sflag:$0x5], $0x80, s14, s19, $0xb8;
	[tilespmem:$0x1CC00] =	vst v63  }
0x93: {  	_ =	swait.ge [sflag:s18], $0x4000  }
0x94: {  	[sflag:s18] =	ssyncset.done $0x0  }
0x95: {  	[sflag:s18] =	ssyncadd.s32 $0xFFFFC000  }
0x96: {  	_ =	swait.ge [sflag:s13], $0x800  }
0x97: {  	[sflag:s13] =	ssyncset.done $0x0  }
0x98: {  	[sflag:s13] =	ssyncadd.s32 $0xFFFFF800  }
0x99: {  	[tilespmem:s17], [sflag:$0x1] =	stream.indirect.gather [hbm4b:s1+s19], $0x80, s22, s19, $0xb8;
	[tilespmem:$0x1CC00] =	vst v63  }
0x9a: {  	p0 =	seq.s32 s10, $0x800;
	s14 =	simm.s32 $0x900  }
0x9b: {  	[tilespmem:s21], [sflag:$0x2] =	stream.indirect.gather [hbm4b:s1+s19], $0x80, s14, s19, $0xb8;
	[tilespmem:$0x1CC00] =	vst v63  }
0x9c: {  	s14 =	sshrl.u32 @!p0 s12, $0x3  }
0x9d: {  	s11 =	simm.s32 @!p0 $0x0;
	s14 =	sadd.s32 @!p0 s5, s14  }
0x9e: {  	[tilespmem:s11], [sflag:$0x3] =	stream.linear.gather @!p0 [hbm4b:s14+s11], $0x800, $0x38;
	[tilespmem:$0x1CC00] =	vst v63  }
0x9f: {  	_ =	swait.ge [sflag:s23], $0x4000  }
0xa0: {  	[sflag:s23] =	ssyncset.done $0x0  }
0xa1: {  	s14 =	simm.s32 $0x880;
	[sflag:s23] =	ssyncadd.s32 $0xFFFFC000  }
0xa2: {  	[spmem:s3] =	stream.indirect.scatter.add.f32 [tilespmem:s17], [sflag:$0x5], $0x80, s14, s19, $0xb8;
	[tilespmem:$0x1CC00] =	vst v63  }
0xa3: {  	_ =	swait.ge [sflag:s18], $0x4000  }
0xa4: {  	[sflag:s18] =	ssyncset.done $0x0  }
0xa5: {  	[sflag:s18] =	ssyncadd.s32 $0xFFFFC000  }
0xa6: {  	[tilespmem:s17], [sflag:$0x1] =	stream.indirect.gather [hbm4b:s1+s19], $0x80, s16, s19, $0xb8;
	[tilespmem:$0x1CC00] =	vst v63  }
0xa7: {  	_ =	swait.ge [sflag:s25], $0x4000  }
0xa8: {  	[sflag:s25] =	ssyncset.done $0x0  }
0xa9: {  	[sflag:s25] =	ssyncadd.s32 $0xFFFFC000  }
0xaa: {  	[spmem:s3] =	stream.indirect.scatter.add.f32 [tilespmem:s21], [sflag:$0x5], $0x80, s6, s19, $0xb8;
	[tilespmem:$0x1CC00] =	vst v63  }
0xab: {  	_ =	swait.ge [sflag:s18], $0x4000  }
0xac: {  	[sflag:s18] =	ssyncset.done $0x0  }
0xad: {  	[sflag:s18] =	ssyncadd.s32 $0xFFFFC000  }
0xae: {  	[tilespmem:s21], [sflag:$0x2] =	stream.indirect.gather [hbm4b:s1+s19], $0x80, s20, s19, $0xb8;
	[tilespmem:$0x1CC00] =	vst v63  }
0xaf: {  	_ =	swait.ge [sflag:s23], $0x4000  }
0xb0: {  	[sflag:s23] =	ssyncset.done $0x0  }
0xb1: {  	[sflag:s23] =	ssyncadd.s32 $0xFFFFC000  }
0xb2: {  	[spmem:s3] =	stream.indirect.scatter.add.f32 [tilespmem:s17], [sflag:$0x5], $0x80, s24, s19, $0xb8;
	[tilespmem:$0x1CC00] =	vst v63  }
0xb3: {  	_ =	swait.ge [sflag:s18], $0x4000  }
0xb4: {  	[sflag:s18] =	ssyncset.done $0x0  }
0xb5: {  	[sflag:s18] =	ssyncadd.s32 $0xFFFFC000  }
0xb6: {  	[tilespmem:s17], [sflag:$0x1] =	stream.indirect.gather [hbm4b:s1+s19], $0x80, s26, s19, $0xb8;
	[tilespmem:$0x1CC00] =	vst v63  }
0xb7: {  	_ =	swait.ge [sflag:s25], $0x4000  }
0xb8: {  	[sflag:s25] =	ssyncset.done $0x0  }
0xb9: {  	[sflag:s25] =	ssyncadd.s32 $0xFFFFC000  }
0xba: {  	[spmem:s3] =	stream.indirect.scatter.add.f32 [tilespmem:s21], [sflag:$0x5], $0x80, s28, s19, $0xb8;
	[tilespmem:$0x1CC00] =	vst v63  }
0xbb: {  	_ =	swait.ge [sflag:s18], $0x4000  }
0xbc: {  	[sflag:s18] =	ssyncset.done $0x0  }
0xbd: {  	[sflag:s18] =	ssyncadd.s32 $0xFFFFC000  }
0xbe: {  	[tilespmem:s21], [sflag:$0x2] =	stream.indirect.gather [hbm4b:s1+s19], $0x80, s29, s19, $0xb8;
	[tilespmem:$0x1CC00] =	vst v63  }
0xbf: {  	_ =	swait.ge [sflag:s23], $0x4000  }
0xc0: {  	[sflag:s23] =	ssyncset.done $0x0  }
0xc1: {  	[sflag:s23] =	ssyncadd.s32 $0xFFFFC000  }
0xc2: {  	[spmem:s3] =	stream.indirect.scatter.add.f32 [tilespmem:s17], [sflag:$0x5], $0x80, s30, s19, $0xb8;
	[tilespmem:$0x1CC00] =	vst v63  }
0xc3: {  	_ =	swait.ge [sflag:s18], $0x4000  }
0xc4: {  	[sflag:s18] =	ssyncset.done $0x0  }
0xc5: {  	[sflag:s18] =	ssyncadd.s32 $0xFFFFC000  }
0xc6: {  	[tilespmem:s17], [sflag:$0x1] =	stream.indirect.gather [hbm4b:s1+s19], $0x80, s31, s19, $0xb8;
	[tilespmem:$0x1CC00] =	vst v63  }
0xc7: {  	_ =	swait.ge [sflag:s25], $0x4000  }
0xc8: {  	[sflag:s25] =	ssyncset.done $0x0  }
0xc9: {  	[sflag:s25] =	ssyncadd.s32 $0xFFFFC000  }
0xca: {  	[spmem:s3] =	stream.indirect.scatter.add.f32 [tilespmem:s21], [sflag:$0x5], $0x80, s0, s19, $0xb8;
	[tilespmem:$0x1CC00] =	vst v63  }
0xcb: {  	_ =	swait.ge [sflag:s18], $0x4000  }
0xcc: {  	[sflag:s18] =	ssyncset.done $0x0  }
0xcd: {  	[sflag:s18] =	ssyncadd.s32 $0xFFFFC000  }
0xce: {  	[tilespmem:s21], [sflag:$0x2] =	stream.indirect.gather [hbm4b:s1+s19], $0x80, s2, s19, $0xb8;
	[tilespmem:$0x1CC00] =	vst v63  }
0xcf: {  	_ =	swait.ge [sflag:s23], $0x4000  }
0xd0: {  	[sflag:s23] =	ssyncset.done $0x0  }
0xd1: {  	[sflag:s23] =	ssyncadd.s32 $0xFFFFC000  }
0xd2: {  	[spmem:s3] =	stream.indirect.scatter.add.f32 [tilespmem:s17], [sflag:$0x5], $0x80, s7, s19, $0xb8;
	[tilespmem:$0x1CC00] =	vst v63  }
0xd3: {  	_ =	swait.ge [sflag:s18], $0x4000  }
0xd4: {  	[sflag:s18] =	ssyncset.done $0x0  }
0xd5: {  	[sflag:s18] =	ssyncadd.s32 $0xFFFFC000  }
0xd6: {  	_ =	swait.ge [sflag:s25], $0x4000  }
0xd7: {  	[sflag:s25] =	ssyncset.done $0x0  }
.Ltmp3:
0xd8: {  	[sflag:s25] =	ssyncadd.s32 $0xFFFFC000;
	(pc) =	sbr.rel @p0 .LBB2_6-.Ltmp3, $4  }
0xd9: {  	[spmem:s3] =	stream.indirect.scatter.add.f32 [tilespmem:s21], [sflag:$0x5], $0x80, s8, s19, $0xb8;
	[tilespmem:$0x1CC00] =	vst v63  }
0xda: {  	_ =	swait.ge [sflag:s18], $0x4000  }
0xdb: {  	[sflag:s18] =	ssyncset.done $0x0  }
0xdc: {  	[sflag:s18] =	ssyncadd.s32 $0xFFFFC000  }
0xdd: {  	_ =	swait.ge [sflag:s9], $0x800  }
0xde: {  	[sflag:s9] =	ssyncset.done $0x0  }
0xdf: {  	[sflag:s9] =	ssyncadd.s32 $0xFFFFF800  }
0xe0: {  	[tilespmem:s17], [sflag:$0x1] =	stream.indirect.gather [hbm4b:s1+s19], $0x80, s4, s19, $0xb8;
	[tilespmem:$0x1CC00] =	vst v63  }
.Ltmp4:
0xe1: {  	_ = 	snop;
	(pc) =	sbr.rel .LBB2_4-.Ltmp4, $4  }
0xe2: {  	s11 =	simm.s32 $0x100  }
0xe3: {  	[tilespmem:s21], [sflag:$0x2] =	stream.indirect.gather [hbm4b:s1+s19], $0x80, s11, s19, $0xb8;
	[tilespmem:$0x1CC00] =	vst v63  }
0xe4: {  	s14 =	sadd.s32 s10, s15;
	s10 =	sadd.s32 $0x200, s10;
	s12 =	sadd.s32 $0x1000, s12  }
0xe5: {  	[tilespmem:s22], [sflag:$0x4] =	stream.linear.gather [hbm4b:s14+s4], $0x800, $0x38;
	[tilespmem:$0x1CC00] =	vst v63  }
.LBB2_7:
0xe6: {  	_ =	sfence.sel $0x180000  }
0xe7: {  	[bflag:$0x0] =	sbarrier.arrive $0xFFFF  }
0xe8: {  	_ =	strace $0x90000047  }
0xe9: {  	s0 =	stileid.u32;
	[bflag:$0x2] =	sbarrier.arrive $0xFFFF  }
0xea: {  	p0 =	sne.s32 s0, $0x0;
	s0 =	rddreg [dreg:$0x3]  }
0xeb: {  	s0 =	sadd.s32 @!p0 $0x100000, s0  }
0xec: {  	[sflag:s0] =	ssyncadd.tile.s32 @!p0 $0x1;
	_ =	shalt  }
.Lfunc_end2:
_tile_overlayer_lowered:
.L_overlay_start_2:
0xed: {  	(tag) =	ssettag $0x2  }
0xee: {  	s0 =	rddreg [dreg:$0x0];
	s2 =	stileid.u32  }
0xef: {  	s1 =	rddreg [dreg:$0x1];
	p0 =	sne.s32 s2, $0x0  }
0xf0: {  	s3 =	rddreg [dreg:$0x2];
	[bflag:$0x3] =	sbarrier.arrive $0xFFFF;
	s2 =	simm.s32 @!p0 $0x1C05  }
0xf1: {  	[timem:s3], [sflag:s2] =	dma.local @!p0 [hbm:s0], s1  }
0xf2: {  	s0 =	simm.s32 @!p0 $0x5  }
0xf3: {  	_ =	swait.ge @!p0 [sflag:s0], s1  }
0xf4: {  	s1 =	ssub.s32 @!p0 $0x0, s1;
	[sflag:s0] =	ssyncset.done @!p0 $0x0  }
0xf5: {  	[sflag:s0] =	ssyncadd.s32 @!p0 s1  }
0xf6: {  	[bflag:$0x3] =	sbarrier.arrive $0xFFFF  }
0xf7: {  	_ =	shalt  }

</sc_bundles>
